<compile_context>
chip_gen: v7x
topology: tpu7x:2x2x1
jax: 0.10.2.dev20260603
libtpu: 0.0.44.dev20260713+nightly
codegen_flags: <defaults>
</compile_context>

<pallas_src>
import functools

import jax
import jax.numpy as jnp
from jax import lax
from jax.experimental import pallas as pl
from jax.experimental.pallas import tpu as pltpu
from jax.experimental.pallas import tpu_sc as plsc

N_NODES = 100000
EMBED_DIM = 128

_info = plsc.get_sparse_core_info()
_NC, _NS = _info.num_cores, _info.num_subcores
_NW = _NC * _NS
_ELEMS = N_NODES * EMBED_DIM
_ELEMS_PER_W = _ELEMS // _NW
_BUF_ROWS = 625
_BUF = _BUF_ROWS * EMBED_DIM
_SMALL_ROWS = 125
_SMALL = _SMALL_ROWS * EMBED_DIM
_N_SMALL = 5
_N_BIG = 4
_LANES = 16
_FILL_UNROLL = 4

_mesh = plsc.VectorSubcoreMesh(core_axis_name="c", subcore_axis_name="s")


@functools.partial(
    pl.kernel,
    mesh=_mesh,
    out_type=jax.ShapeDtypeStruct((_ELEMS,), jnp.float32),
    scratch_types=[
        pltpu.VMEM((_BUF,), jnp.float32),
        pltpu.SemaphoreType.DMA,
    ],
)
def _broadcast_rows(w_hbm, out_hbm, buf_v, sem):
    wid = lax.axis_index("s") * _NC + lax.axis_index("c")
    pltpu.sync_copy(w_hbm, buf_v.at[pl.ds(0, EMBED_DIM)])
    wv = [buf_v[pl.ds(d * _LANES, _LANES)] for d in range(EMBED_DIM // _LANES)]

    def _fill_rows(first_row):
        def body(i, _):
            for u in range(_FILL_UNROLL):
                row = (first_row + u) * EMBED_DIM + i * (_FILL_UNROLL * EMBED_DIM)
                for d in range(EMBED_DIM // _LANES):
                    buf_v[pl.ds(row + d * _LANES, _LANES)] = wv[d]
            return 0
        return body

    base = wid * _ELEMS_PER_W
    lax.fori_loop(0, (_SMALL_ROWS - 1) // _FILL_UNROLL, _fill_rows(1), 0)
    copies = [
        pltpu.async_copy(
            buf_v.at[pl.ds(0, _SMALL)],
            out_hbm.at[pl.ds(base + j * _SMALL, _SMALL)], sem)
        for j in range(_N_SMALL)
    ]
    lax.fori_loop(0, (_BUF_ROWS - _SMALL_ROWS) // _FILL_UNROLL,
                  _fill_rows(_SMALL_ROWS), 0)
    off = _N_SMALL * _SMALL
    copies += [
        pltpu.async_copy(buf_v, out_hbm.at[pl.ds(base + off + j * _BUF, _BUF)], sem)
        for j in range(_N_BIG)
    ]
    for c in copies:
        c.wait()


def kernel(tensor, weight):
    del tensor
    flat = _broadcast_rows(weight.reshape(EMBED_DIM))
    return flat.reshape(N_NODES, EMBED_DIM)

# --- scband reference (transcript-rebuilt; emitter-appended) ---
"""Pipeline reference for scband-ogb-node-encoder-72713796321711 (READ-ONLY COPY).

The authoritative reference and input builder live on the scoring server;
editing this copy changes nothing except your own understanding.
"""

import jax, jax.numpy as jnp
import numpy as np

NUM_EMBEDDINGS = 1
EMBED_DIM = 128
N_NODES = 100000

def setup_inputs(seed: int = 0) -> dict:
    key = jax.random.key(seed)
    k_idx, k_w = jax.random.split(key)
    # ppa branch: nn.Embedding(1, embed_dim); all indices must be 0 (in-range)
    tensor = jax.random.randint(k_idx, (N_NODES,), 0, NUM_EMBEDDINGS, dtype=jnp.int32)
    # nn.Embedding default init: N(0, 1)
    weight = jax.random.normal(k_w, (NUM_EMBEDDINGS, EMBED_DIM), dtype=jnp.float32)
    return {"tensor": tensor, "weight": weight}


def reference(tensor, weight):
    # forward: self.node_encoder(tensor) == embedding lookup
    return jnp.take(weight, tensor, axis=0)

if __name__ == "__main__":
    import jax
    _d = setup_inputs()
    print(jax.jit(kernel)(*tuple(_d.values())))

</pallas_src>

<mosaic_0001>
#map = affine_map<(d0, d1) -> (0)>
module attributes {stable_mosaic.version = 14 : i64} {
  func.func @_broadcast_rows(%arg0: i32, %arg1: i32, %arg2: memref<128xf32, #tpu.memory_space<hbm>>, %arg3: memref<12800000xf32, #tpu.memory_space<hbm>>, %arg4: memref<80000xf32, #tpu.memory_space<vmem>>, %arg5: memref<!tpu.dma_semaphore, #tpu.memory_space<semaphore_mem>>) attributes {dimension_semantics = [#tpu.dimension_semantics<core_parallel>, #tpu.dimension_semantics<subcore_parallel>], iteration_bounds = array<i64: 2, 16>, scalar_prefetch = 0 : i64, scratch_operands = 2 : i64, tpu.core_type = #tpu.core_type<sc_vector_subcore>, window_params = [{transform_indices = #map}, {transform_indices = #map}]} {
    %mul3A = arith.constant 2 : i32
    %mul3A_0 = arith.muli %arg1, %mul3A : i32
    %add3A = arith.addi %mul3A_0, %arg0 : i32
    "tpu.region"() ({
      %run_scoped3A = tpu.sem_alloc : memref<!tpu.dma_semaphore, #tpu.memory_space<semaphore_mem>>
      %dma_start3A_139 = arith.constant 0 : i32
      %dma_start3A_140 = tpu.memref_slice %arg4[%dma_start3A_139] : memref<80000xf32, #tpu.memory_space<vmem>> -> memref<128xf32, #tpu.memory_space<vmem>>
      %dma_start3A_141 = arith.constant 0 : i32
      %dma_start3A_142 = tpu.memref_slice %arg4[%dma_start3A_141] : memref<80000xf32, #tpu.memory_space<vmem>> -> memref<128xf32, #tpu.memory_space<vmem>>
      tpu.enqueue_dma source(%arg2 : memref<128xf32, #tpu.memory_space<hbm>>) target(%dma_start3A_142 : memref<128xf32, #tpu.memory_space<vmem>>) target_semaphore(%run_scoped3A : memref<!tpu.dma_semaphore, #tpu.memory_space<semaphore_mem>>)
      %dma_wait3A_143 = arith.constant 0 : i32
      %dma_wait3A_144 = tpu.memref_slice %arg4[%dma_wait3A_143] : memref<80000xf32, #tpu.memory_space<vmem>> -> memref<128xf32, #tpu.memory_space<vmem>>
      %dma_wait3A_145 = arith.constant 0 : i32
      %dma_wait3A_146 = tpu.memref_slice %arg4[%dma_wait3A_145] : memref<80000xf32, #tpu.memory_space<vmem>> -> memref<128xf32, #tpu.memory_space<vmem>>
      tpu.wait_dma2 semaphore(%run_scoped3A : memref<!tpu.dma_semaphore, #tpu.memory_space<semaphore_mem>>) src(%arg2 : memref<128xf32, #tpu.memory_space<hbm>>) dst(%dma_wait3A_146 : memref<128xf32, #tpu.memory_space<vmem>>)
      tpu.yield
    }) : () -> ()
    %get3A = arith.constant 0 : index
    %get3A_1 = tpu.vector_load %arg4[%get3A] {strides = array<i32>} : memref<80000xf32, #tpu.memory_space<vmem>>, vector<16xf32>,
    %get3A_2 = vector.shape_cast %get3A_1 : vector<16xf32> to vector<16xf32>
    %get3A_3 = arith.constant 16 : index
    %get3A_4 = tpu.vector_load %arg4[%get3A_3] {strides = array<i32>} : memref<80000xf32, #tpu.memory_space<vmem>>, vector<16xf32>,
    %get3A_5 = vector.shape_cast %get3A_4 : vector<16xf32> to vector<16xf32>
    %get3A_6 = arith.constant 32 : index
    %get3A_7 = tpu.vector_load %arg4[%get3A_6] {strides = array<i32>} : memref<80000xf32, #tpu.memory_space<vmem>>, vector<16xf32>,
    %get3A_8 = vector.shape_cast %get3A_7 : vector<16xf32> to vector<16xf32>
    %get3A_9 = arith.constant 48 : index
    %get3A_10 = tpu.vector_load %arg4[%get3A_9] {strides = array<i32>} : memref<80000xf32, #tpu.memory_space<vmem>>, vector<16xf32>,
    %get3A_11 = vector.shape_cast %get3A_10 : vector<16xf32> to vector<16xf32>
    %get3A_12 = arith.constant 64 : index
    %get3A_13 = tpu.vector_load %arg4[%get3A_12] {strides = array<i32>} : memref<80000xf32, #tpu.memory_space<vmem>>, vector<16xf32>,
    %get3A_14 = vector.shape_cast %get3A_13 : vector<16xf32> to vector<16xf32>
    %get3A_15 = arith.constant 80 : index
    %get3A_16 = tpu.vector_load %arg4[%get3A_15] {strides = array<i32>} : memref<80000xf32, #tpu.memory_space<vmem>>, vector<16xf32>,
    %get3A_17 = vector.shape_cast %get3A_16 : vector<16xf32> to vector<16xf32>
    %get3A_18 = arith.constant 96 : index
    %get3A_19 = tpu.vector_load %arg4[%get3A_18] {strides = array<i32>} : memref<80000xf32, #tpu.memory_space<vmem>>, vector<16xf32>,
    %get3A_20 = vector.shape_cast %get3A_19 : vector<16xf32> to vector<16xf32>
    %get3A_21 = arith.constant 112 : index
    %get3A_22 = tpu.vector_load %arg4[%get3A_21] {strides = array<i32>} : memref<80000xf32, #tpu.memory_space<vmem>>, vector<16xf32>,
    %get3A_23 = vector.shape_cast %get3A_22 : vector<16xf32> to vector<16xf32>
    %mul3A_24 = arith.constant 400000 : i32
    %mul3A_25 = arith.muli %add3A, %mul3A_24 : i32
    %scan3A = arith.constant 0 : i32
    %scan3A_26 = arith.constant 0 : i32
    %scan3A_27 = arith.constant 31 : i32
    %scan3A_28 = arith.addi %scan3A_26, %scan3A_27 : i32
    %scan3A_29 = arith.constant 1 : i32
    %scan3A_30 = scf.for %scan3A_139 = %scan3A_26 to %scan3A_28 step %scan3A_29 iter_args(%scan3A_140 = %scan3A) -> (i32)  : i32 {
      %mul3A_141 = arith.constant 512 : i32
      %mul3A_142 = arith.muli %scan3A_139, %mul3A_141 : i32
      %add3A_143 = arith.constant 128 : i32
      %add3A_144 = arith.addi %add3A_143, %mul3A_142 : i32
      %add3A_145 = arith.constant 0 : i32
      %add3A_146 = arith.addi %add3A_144, %add3A_145 : i32
      %swap3A = arith.index_cast %add3A_146 : i32 to index
      %swap3A_147 = tpu.vector_load %arg4[%swap3A] {strides = array<i32>} : memref<80000xf32, #tpu.memory_space<vmem>>, vector<16xf32>,
      %swap3A_148 = vector.shape_cast %swap3A_147 : vector<16xf32> to vector<16xf32>
      %swap3A_149 = vector.shape_cast %get3A_2 : vector<16xf32> to vector<16xf32>
      tpu.vector_store %arg4[%swap3A], %swap3A_149 {strides = array<i32>} : memref<80000xf32, #tpu.memory_space<vmem>>, vector<16xf32>,
      %add3A_150 = arith.constant 16 : i32
      %add3A_151 = arith.addi %add3A_144, %add3A_150 : i32
      %swap3A_152 = arith.index_cast %add3A_151 : i32 to index
      %swap3A_153 = tpu.vector_load %arg4[%swap3A_152] {strides = array<i32>} : memref<80000xf32, #tpu.memory_space<vmem>>, vector<16xf32>,
      %swap3A_154 = vector.shape_cast %swap3A_153 : vector<16xf32> to vector<16xf32>
      %swap3A_155 = vector.shape_cast %get3A_5 : vector<16xf32> to vector<16xf32>
      tpu.vector_store %arg4[%swap3A_152], %swap3A_155 {strides = array<i32>} : memref<80000xf32, #tpu.memory_space<vmem>>, vector<16xf32>,
      %add3A_156 = arith.constant 32 : i32
      %add3A_157 = arith.addi %add3A_144, %add3A_156 : i32
      %swap3A_158 = arith.index_cast %add3A_157 : i32 to index
      %swap3A_159 = tpu.vector_load %arg4[%swap3A_158] {strides = array<i32>} : memref<80000xf32, #tpu.memory_space<vmem>>, vector<16xf32>,
      %swap3A_160 = vector.shape_cast %swap3A_159 : vector<16xf32> to vector<16xf32>
      %swap3A_161 = vector.shape_cast %get3A_8 : vector<16xf32> to vector<16xf32>
      tpu.vector_store %arg4[%swap3A_158], %swap3A_161 {strides = array<i32>} : memref<80000xf32, #tpu.memory_space<vmem>>, vector<16xf32>,
      %add3A_162 = arith.constant 48 : i32
      %add3A_163 = arith.addi %add3A_144, %add3A_162 : i32
      %swap3A_164 = arith.index_cast %add3A_163 : i32 to index
      %swap3A_165 = tpu.vector_load %arg4[%swap3A_164] {strides = array<i32>} : memref<80000xf32, #tpu.memory_space<vmem>>, vector<16xf32>,
      %swap3A_166 = vector.shape_cast %swap3A_165 : vector<16xf32> to vector<16xf32>
      %swap3A_167 = vector.shape_cast %get3A_11 : vector<16xf32> to vector<16xf32>
      tpu.vector_store %arg4[%swap3A_164], %swap3A_167 {strides = array<i32>} : memref<80000xf32, #tpu.memory_space<vmem>>, vector<16xf32>,
      %add3A_168 = arith.constant 64 : i32
      %add3A_169 = arith.addi %add3A_144, %add3A_168 : i32
      %swap3A_170 = arith.index_cast %add3A_169 : i32 to index
      %swap3A_171 = tpu.vector_load %arg4[%swap3A_170] {strides = array<i32>} : memref<80000xf32, #tpu.memory_space<vmem>>, vector<16xf32>,
      %swap3A_172 = vector.shape_cast %swap3A_171 : vector<16xf32> to vector<16xf32>
      %swap3A_173 = vector.shape_cast %get3A_14 : vector<16xf32> to vector<16xf32>
      tpu.vector_store %arg4[%swap3A_170], %swap3A_173 {strides = array<i32>} : memref<80000xf32, #tpu.memory_space<vmem>>, vector<16xf32>,
      %add3A_174 = arith.constant 80 : i32
      %add3A_175 = arith.addi %add3A_144, %add3A_174 : i32
      %swap3A_176 = arith.index_cast %add3A_175 : i32 to index
      %swap3A_177 = tpu.vector_load %arg4[%swap3A_176] {strides = array<i32>} : memref<80000xf32, #tpu.memory_space<vmem>>, vector<16xf32>,
      %swap3A_178 = vector.shape_cast %swap3A_177 : vector<16xf32> to vector<16xf32>
      %swap3A_179 = vector.shape_cast %get3A_17 : vector<16xf32> to vector<16xf32>
      tpu.vector_store %arg4[%swap3A_176], %swap3A_179 {strides = array<i32>} : memref<80000xf32, #tpu.memory_space<vmem>>, vector<16xf32>,
      %add3A_180 = arith.constant 96 : i32
      %add3A_181 = arith.addi %add3A_144, %add3A_180 : i32
      %swap3A_182 = arith.index_cast %add3A_181 : i32 to index
      %swap3A_183 = tpu.vector_load %arg4[%swap3A_182] {strides = array<i32>} : memref<80000xf32, #tpu.memory_space<vmem>>, vector<16xf32>,
      %swap3A_184 = vector.shape_cast %swap3A_183 : vector<16xf32> to vector<16xf32>
      %swap3A_185 = vector.shape_cast %get3A_20 : vector<16xf32> to vector<16xf32>
      tpu.vector_store %arg4[%swap3A_182], %swap3A_185 {strides = array<i32>} : memref<80000xf32, #tpu.memory_space<vmem>>, vector<16xf32>,
      %add3A_186 = arith.constant 112 : i32
      %add3A_187 = arith.addi %add3A_144, %add3A_186 : i32
      %swap3A_188 = arith.index_cast %add3A_187 : i32 to index
      %swap3A_189 = tpu.vector_load %arg4[%swap3A_188] {strides = array<i32>} : memref<80000xf32, #tpu.memory_space<vmem>>, vector<16xf32>,
      %swap3A_190 = vector.shape_cast %swap3A_189 : vector<16xf32> to vector<16xf32>
      %swap3A_191 = vector.shape_cast %get3A_23 : vector<16xf32> to vector<16xf32>
      tpu.vector_store %arg4[%swap3A_188], %swap3A_191 {strides = array<i32>} : memref<80000xf32, #tpu.memory_space<vmem>>, vector<16xf32>,
      %mul3A_192 = arith.constant 512 : i32
      %mul3A_193 = arith.muli %scan3A_139, %mul3A_192 : i32
      %add3A_194 = arith.constant 256 : i32
      %add3A_195 = arith.addi %add3A_194, %mul3A_193 : i32
      %add3A_196 = arith.constant 0 : i32
      %add3A_197 = arith.addi %add3A_195, %add3A_196 : i32
      %swap3A_198 = arith.index_cast %add3A_197 : i32 to index
      %swap3A_199 = tpu.vector_load %arg4[%swap3A_198] {strides = array<i32>} : memref<80000xf32, #tpu.memory_space<vmem>>, vector<16xf32>,
      %swap3A_200 = vector.shape_cast %swap3A_199 : vector<16xf32> to vector<16xf32>
      %swap3A_201 = vector.shape_cast %get3A_2 : vector<16xf32> to vector<16xf32>
      tpu.vector_store %arg4[%swap3A_198], %swap3A_201 {strides = array<i32>} : memref<80000xf32, #tpu.memory_space<vmem>>, vector<16xf32>,
      %add3A_202 = arith.constant 16 : i32
      %add3A_203 = arith.addi %add3A_195, %add3A_202 : i32
      %swap3A_204 = arith.index_cast %add3A_203 : i32 to index
      %swap3A_205 = tpu.vector_load %arg4[%swap3A_204] {strides = array<i32>} : memref<80000xf32, #tpu.memory_space<vmem>>, vector<16xf32>,
      %swap3A_206 = vector.shape_cast %swap3A_205 : vector<16xf32> to vector<16xf32>
      %swap3A_207 = vector.shape_cast %get3A_5 : vector<16xf32> to vector<16xf32>
      tpu.vector_store %arg4[%swap3A_204], %swap3A_207 {strides = array<i32>} : memref<80000xf32, #tpu.memory_space<vmem>>, vector<16xf32>,
      %add3A_208 = arith.constant 32 : i32
      %add3A_209 = arith.addi %add3A_195, %add3A_208 : i32
      %swap3A_210 = arith.index_cast %add3A_209 : i32 to index
      %swap3A_211 = tpu.vector_load %arg4[%swap3A_210] {strides = array<i32>} : memref<80000xf32, #tpu.memory_space<vmem>>, vector<16xf32>,
      %swap3A_212 = vector.shape_cast %swap3A_211 : vector<16xf32> to vector<16xf32>
      %swap3A_213 = vector.shape_cast %get3A_8 : vector<16xf32> to vector<16xf32>
      tpu.vector_store %arg4[%swap3A_210], %swap3A_213 {strides = array<i32>} : memref<80000xf32, #tpu.memory_space<vmem>>, vector<16xf32>,
      %add3A_214 = arith.constant 48 : i32
      %add3A_215 = arith.addi %add3A_195, %add3A_214 : i32
      %swap3A_216 = arith.index_cast %add3A_215 : i32 to index
      %swap3A_217 = tpu.vector_load %arg4[%swap3A_216] {strides = array<i32>} : memref<80000xf32, #tpu.memory_space<vmem>>, vector<16xf32>,
      %swap3A_218 = vector.shape_cast %swap3A_217 : vector<16xf32> to vector<16xf32>
      %swap3A_219 = vector.shape_cast %get3A_11 : vector<16xf32> to vector<16xf32>
      tpu.vector_store %arg4[%swap3A_216], %swap3A_219 {strides = array<i32>} : memref<80000xf32, #tpu.memory_space<vmem>>, vector<16xf32>,
      %add3A_220 = arith.constant 64 : i32
      %add3A_221 = arith.addi %add3A_195, %add3A_220 : i32
      %swap3A_222 = arith.index_cast %add3A_221 : i32 to index
      %swap3A_223 = tpu.vector_load %arg4[%swap3A_222] {strides = array<i32>} : memref<80000xf32, #tpu.memory_space<vmem>>, vector<16xf32>,
      %swap3A_224 = vector.shape_cast %swap3A_223 : vector<16xf32> to vector<16xf32>
      %swap3A_225 = vector.shape_cast %get3A_14 : vector<16xf32> to vector<16xf32>
      tpu.vector_store %arg4[%swap3A_222], %swap3A_225 {strides = array<i32>} : memref<80000xf32, #tpu.memory_space<vmem>>, vector<16xf32>,
      %add3A_226 = arith.constant 80 : i32
      %add3A_227 = arith.addi %add3A_195, %add3A_226 : i32
      %swap3A_228 = arith.index_cast %add3A_227 : i32 to index
      %swap3A_229 = tpu.vector_load %arg4[%swap3A_228] {strides = array<i32>} : memref<80000xf32, #tpu.memory_space<vmem>>, vector<16xf32>,
      %swap3A_230 = vector.shape_cast %swap3A_229 : vector<16xf32> to vector<16xf32>
      %swap3A_231 = vector.shape_cast %get3A_17 : vector<16xf32> to vector<16xf32>
      tpu.vector_store %arg4[%swap3A_228], %swap3A_231 {strides = array<i32>} : memref<80000xf32, #tpu.memory_space<vmem>>, vector<16xf32>,
      %add3A_232 = arith.constant 96 : i32
      %add3A_233 = arith.addi %add3A_195, %add3A_232 : i32
      %swap3A_234 = arith.index_cast %add3A_233 : i32 to index
      %swap3A_235 = tpu.vector_load %arg4[%swap3A_234] {strides = array<i32>} : memref<80000xf32, #tpu.memory_space<vmem>>, vector<16xf32>,
      %swap3A_236 = vector.shape_cast %swap3A_235 : vector<16xf32> to vector<16xf32>
      %swap3A_237 = vector.shape_cast %get3A_20 : vector<16xf32> to vector<16xf32>
      tpu.vector_store %arg4[%swap3A_234], %swap3A_237 {strides = array<i32>} : memref<80000xf32, #tpu.memory_space<vmem>>, vector<16xf32>,
      %add3A_238 = arith.constant 112 : i32
      %add3A_239 = arith.addi %add3A_195, %add3A_238 : i32
      %swap3A_240 = arith.index_cast %add3A_239 : i32 to index
      %swap3A_241 = tpu.vector_load %arg4[%swap3A_240] {strides = array<i32>} : memref<80000xf32, #tpu.memory_space<vmem>>, vector<16xf32>,
      %swap3A_242 = vector.shape_cast %swap3A_241 : vector<16xf32> to vector<16xf32>
      %swap3A_243 = vector.shape_cast %get3A_23 : vector<16xf32> to vector<16xf32>
      tpu.vector_store %arg4[%swap3A_240], %swap3A_243 {strides = array<i32>} : memref<80000xf32, #tpu.memory_space<vmem>>, vector<16xf32>,
      %mul3A_244 = arith.constant 512 : i32
      %mul3A_245 = arith.muli %scan3A_139, %mul3A_244 : i32
      %add3A_246 = arith.constant 384 : i32
      %add3A_247 = arith.addi %add3A_246, %mul3A_245 : i32
      %add3A_248 = arith.constant 0 : i32
      %add3A_249 = arith.addi %add3A_247, %add3A_248 : i32
      %swap3A_250 = arith.index_cast %add3A_249 : i32 to index
      %swap3A_251 = tpu.vector_load %arg4[%swap3A_250] {strides = array<i32>} : memref<80000xf32, #tpu.memory_space<vmem>>, vector<16xf32>,
      %swap3A_252 = vector.shape_cast %swap3A_251 : vector<16xf32> to vector<16xf32>
      %swap3A_253 = vector.shape_cast %get3A_2 : vector<16xf32> to vector<16xf32>
      tpu.vector_store %arg4[%swap3A_250], %swap3A_253 {strides = array<i32>} : memref<80000xf32, #tpu.memory_space<vmem>>, vector<16xf32>,
      %add3A_254 = arith.constant 16 : i32
      %add3A_255 = arith.addi %add3A_247, %add3A_254 : i32
      %swap3A_256 = arith.index_cast %add3A_255 : i32 to index
      %swap3A_257 = tpu.vector_load %arg4[%swap3A_256] {strides = array<i32>} : memref<80000xf32, #tpu.memory_space<vmem>>, vector<16xf32>,
      %swap3A_258 = vector.shape_cast %swap3A_257 : vector<16xf32> to vector<16xf32>
      %swap3A_259 = vector.shape_cast %get3A_5 : vector<16xf32> to vector<16xf32>
      tpu.vector_store %arg4[%swap3A_256], %swap3A_259 {strides = array<i32>} : memref<80000xf32, #tpu.memory_space<vmem>>, vector<16xf32>,
      %add3A_260 = arith.constant 32 : i32
      %add3A_261 = arith.addi %add3A_247, %add3A_260 : i32
      %swap3A_262 = arith.index_cast %add3A_261 : i32 to index
      %swap3A_263 = tpu.vector_load %arg4[%swap3A_262] {strides = array<i32>} : memref<80000xf32, #tpu.memory_space<vmem>>, vector<16xf32>,
      %swap3A_264 = vector.shape_cast %swap3A_263 : vector<16xf32> to vector<16xf32>
      %swap3A_265 = vector.shape_cast %get3A_8 : vector<16xf32> to vector<16xf32>
      tpu.vector_store %arg4[%swap3A_262], %swap3A_265 {strides = array<i32>} : memref<80000xf32, #tpu.memory_space<vmem>>, vector<16xf32>,
      %add3A_266 = arith.constant 48 : i32
      %add3A_267 = arith.addi %add3A_247, %add3A_266 : i32
      %swap3A_268 = arith.index_cast %add3A_267 : i32 to index
      %swap3A_269 = tpu.vector_load %arg4[%swap3A_268] {strides = array<i32>} : memref<80000xf32, #tpu.memory_space<vmem>>, vector<16xf32>,
      %swap3A_270 = vector.shape_cast %swap3A_269 : vector<16xf32> to vector<16xf32>
      %swap3A_271 = vector.shape_cast %get3A_11 : vector<16xf32> to vector<16xf32>
      tpu.vector_store %arg4[%swap3A_268], %swap3A_271 {strides = array<i32>} : memref<80000xf32, #tpu.memory_space<vmem>>, vector<16xf32>,
      %add3A_272 = arith.constant 64 : i32
      %add3A_273 = arith.addi %add3A_247, %add3A_272 : i32
      %swap3A_274 = arith.index_cast %add3A_273 : i32 to index
      %swap3A_275 = tpu.vector_load %arg4[%swap3A_274] {strides = array<i32>} : memref<80000xf32, #tpu.memory_space<vmem>>, vector<16xf32>,
      %swap3A_276 = vector.shape_cast %swap3A_275 : vector<16xf32> to vector<16xf32>
      %swap3A_277 = vector.shape_cast %get3A_14 : vector<16xf32> to vector<16xf32>
      tpu.vector_store %arg4[%swap3A_274], %swap3A_277 {strides = array<i32>} : memref<80000xf32, #tpu.memory_space<vmem>>, vector<16xf32>,
      %add3A_278 = arith.constant 80 : i32
      %add3A_279 = arith.addi %add3A_247, %add3A_278 : i32
      %swap3A_280 = arith.index_cast %add3A_279 : i32 to index
      %swap3A_281 = tpu.vector_load %arg4[%swap3A_280] {strides = array<i32>} : memref<80000xf32, #tpu.memory_space<vmem>>, vector<16xf32>,
      %swap3A_282 = vector.shape_cast %swap3A_281 : vector<16xf32> to vector<16xf32>
      %swap3A_283 = vector.shape_cast %get3A_17 : vector<16xf32> to vector<16xf32>
      tpu.vector_store %arg4[%swap3A_280], %swap3A_283 {strides = array<i32>} : memref<80000xf32, #tpu.memory_space<vmem>>, vector<16xf32>,
      %add3A_284 = arith.constant 96 : i32
      %add3A_285 = arith.addi %add3A_247, %add3A_284 : i32
      %swap3A_286 = arith.index_cast %add3A_285 : i32 to index
      %swap3A_287 = tpu.vector_load %arg4[%swap3A_286] {strides = array<i32>} : memref<80000xf32, #tpu.memory_space<vmem>>, vector<16xf32>,
      %swap3A_288 = vector.shape_cast %swap3A_287 : vector<16xf32> to vector<16xf32>
      %swap3A_289 = vector.shape_cast %get3A_20 : vector<16xf32> to vector<16xf32>
      tpu.vector_store %arg4[%swap3A_286], %swap3A_289 {strides = array<i32>} : memref<80000xf32, #tpu.memory_space<vmem>>, vector<16xf32>,
      %add3A_290 = arith.constant 112 : i32
      %add3A_291 = arith.addi %add3A_247, %add3A_290 : i32
      %swap3A_292 = arith.index_cast %add3A_291 : i32 to index
      %swap3A_293 = tpu.vector_load %arg4[%swap3A_292] {strides = array<i32>} : memref<80000xf32, #tpu.memory_space<vmem>>, vector<16xf32>,
      %swap3A_294 = vector.shape_cast %swap3A_293 : vector<16xf32> to vector<16xf32>
      %swap3A_295 = vector.shape_cast %get3A_23 : vector<16xf32> to vector<16xf32>
      tpu.vector_store %arg4[%swap3A_292], %swap3A_295 {strides = array<i32>} : memref<80000xf32, #tpu.memory_space<vmem>>, vector<16xf32>,
      %mul3A_296 = arith.constant 512 : i32
      %mul3A_297 = arith.muli %scan3A_139, %mul3A_296 : i32
      %add3A_298 = arith.constant 512 : i32
      %add3A_299 = arith.addi %add3A_298, %mul3A_297 : i32
      %add3A_300 = arith.constant 0 : i32
      %add3A_301 = arith.addi %add3A_299, %add3A_300 : i32
      %swap3A_302 = arith.index_cast %add3A_301 : i32 to index
      %swap3A_303 = tpu.vector_load %arg4[%swap3A_302] {strides = array<i32>} : memref<80000xf32, #tpu.memory_space<vmem>>, vector<16xf32>,
      %swap3A_304 = vector.shape_cast %swap3A_303 : vector<16xf32> to vector<16xf32>
      %swap3A_305 = vector.shape_cast %get3A_2 : vector<16xf32> to vector<16xf32>
      tpu.vector_store %arg4[%swap3A_302], %swap3A_305 {strides = array<i32>} : memref<80000xf32, #tpu.memory_space<vmem>>, vector<16xf32>,
      %add3A_306 = arith.constant 16 : i32
      %add3A_307 = arith.addi %add3A_299, %add3A_306 : i32
      %swap3A_308 = arith.index_cast %add3A_307 : i32 to index
      %swap3A_309 = tpu.vector_load %arg4[%swap3A_308] {strides = array<i32>} : memref<80000xf32, #tpu.memory_space<vmem>>, vector<16xf32>,
      %swap3A_310 = vector.shape_cast %swap3A_309 : vector<16xf32> to vector<16xf32>
      %swap3A_311 = vector.shape_cast %get3A_5 : vector<16xf32> to vector<16xf32>
      tpu.vector_store %arg4[%swap3A_308], %swap3A_311 {strides = array<i32>} : memref<80000xf32, #tpu.memory_space<vmem>>, vector<16xf32>,
      %add3A_312 = arith.constant 32 : i32
      %add3A_313 = arith.addi %add3A_299, %add3A_312 : i32
      %swap3A_314 = arith.index_cast %add3A_313 : i32 to index
      %swap3A_315 = tpu.vector_load %arg4[%swap3A_314] {strides = array<i32>} : memref<80000xf32, #tpu.memory_space<vmem>>, vector<16xf32>,
      %swap3A_316 = vector.shape_cast %swap3A_315 : vector<16xf32> to vector<16xf32>
      %swap3A_317 = vector.shape_cast %get3A_8 : vector<16xf32> to vector<16xf32>
      tpu.vector_store %arg4[%swap3A_314], %swap3A_317 {strides = array<i32>} : memref<80000xf32, #tpu.memory_space<vmem>>, vector<16xf32>,
      %add3A_318 = arith.constant 48 : i32
      %add3A_319 = arith.addi %add3A_299, %add3A_318 : i32
      %swap3A_320 = arith.index_cast %add3A_319 : i32 to index
      %swap3A_321 = tpu.vector_load %arg4[%swap3A_320] {strides = array<i32>} : memref<80000xf32, #tpu.memory_space<vmem>>, vector<16xf32>,
      %swap3A_322 = vector.shape_cast %swap3A_321 : vector<16xf32> to vector<16xf32>
      %swap3A_323 = vector.shape_cast %get3A_11 : vector<16xf32> to vector<16xf32>
      tpu.vector_store %arg4[%swap3A_320], %swap3A_323 {strides = array<i32>} : memref<80000xf32, #tpu.memory_space<vmem>>, vector<16xf32>,
      %add3A_324 = arith.constant 64 : i32
      %add3A_325 = arith.addi %add3A_299, %add3A_324 : i32
      %swap3A_326 = arith.index_cast %add3A_325 : i32 to index
      %swap3A_327 = tpu.vector_load %arg4[%swap3A_326] {strides = array<i32>} : memref<80000xf32, #tpu.memory_space<vmem>>, vector<16xf32>,
      %swap3A_328 = vector.shape_cast %swap3A_327 : vector<16xf32> to vector<16xf32>
      %swap3A_329 = vector.shape_cast %get3A_14 : vector<16xf32> to vector<16xf32>
      tpu.vector_store %arg4[%swap3A_326], %swap3A_329 {strides = array<i32>} : memref<80000xf32, #tpu.memory_space<vmem>>, vector<16xf32>,
      %add3A_330 = arith.constant 80 : i32
      %add3A_331 = arith.addi %add3A_299, %add3A_330 : i32
      %swap3A_332 = arith.index_cast %add3A_331 : i32 to index
      %swap3A_333 = tpu.vector_load %arg4[%swap3A_332] {strides = array<i32>} : memref<80000xf32, #tpu.memory_space<vmem>>, vector<16xf32>,
      %swap3A_334 = vector.shape_cast %swap3A_333 : vector<16xf32> to vector<16xf32>
      %swap3A_335 = vector.shape_cast %get3A_17 : vector<16xf32> to vector<16xf32>
      tpu.vector_store %arg4[%swap3A_332], %swap3A_335 {strides = array<i32>} : memref<80000xf32, #tpu.memory_space<vmem>>, vector<16xf32>,
      %add3A_336 = arith.constant 96 : i32
      %add3A_337 = arith.addi %add3A_299, %add3A_336 : i32
      %swap3A_338 = arith.index_cast %add3A_337 : i32 to index
      %swap3A_339 = tpu.vector_load %arg4[%swap3A_338] {strides = array<i32>} : memref<80000xf32, #tpu.memory_space<vmem>>, vector<16xf32>,
      %swap3A_340 = vector.shape_cast %swap3A_339 : vector<16xf32> to vector<16xf32>
      %swap3A_341 = vector.shape_cast %get3A_20 : vector<16xf32> to vector<16xf32>
      tpu.vector_store %arg4[%swap3A_338], %swap3A_341 {strides = array<i32>} : memref<80000xf32, #tpu.memory_space<vmem>>, vector<16xf32>,
      %add3A_342 = arith.constant 112 : i32
      %add3A_343 = arith.addi %add3A_299, %add3A_342 : i32
      %swap3A_344 = arith.index_cast %add3A_343 : i32 to index
      %swap3A_345 = tpu.vector_load %arg4[%swap3A_344] {strides = array<i32>} : memref<80000xf32, #tpu.memory_space<vmem>>, vector<16xf32>,
      %swap3A_346 = vector.shape_cast %swap3A_345 : vector<16xf32> to vector<16xf32>
      %swap3A_347 = vector.shape_cast %get3A_23 : vector<16xf32> to vector<16xf32>
      tpu.vector_store %arg4[%swap3A_344], %swap3A_347 {strides = array<i32>} : memref<80000xf32, #tpu.memory_space<vmem>>, vector<16xf32>,
      %scan3A_348 = arith.constant 0 : i32
      scf.yield %scan3A_348 : i32
    }
    %scan3A_31 = arith.constant 31 : i32
    %add3A_32 = arith.constant 0 : i32
    %add3A_33 = arith.addi %mul3A_25, %add3A_32 : i32
    %dma_start3A = arith.constant 0 : i32
    %dma_start3A_34 = tpu.memref_slice %arg4[%dma_start3A] : memref<80000xf32, #tpu.memory_space<vmem>> -> memref<16000xf32, #tpu.memory_space<vmem>>
    %dma_start3A_35 = tpu.memref_slice %arg3[%add3A_33] : memref<12800000xf32, #tpu.memory_space<hbm>> -> memref<16000xf32, #tpu.memory_space<hbm>>
    %dma_start3A_36 = tpu.memref_slice %arg3[%add3A_33] : memref<12800000xf32, #tpu.memory_space<hbm>> -> memref<16000xf32, #tpu.memory_space<hbm>>
    %dma_start3A_37 = arith.constant 0 : i32
    %dma_start3A_38 = tpu.memref_slice %arg4[%dma_start3A_37] : memref<80000xf32, #tpu.memory_space<vmem>> -> memref<16000xf32, #tpu.memory_space<vmem>>
    tpu.enqueue_dma source(%dma_start3A_38 : memref<16000xf32, #tpu.memory_space<vmem>>) target(%dma_start3A_36 : memref<16000xf32, #tpu.memory_space<hbm>>) target_semaphore(%arg5 : memref<!tpu.dma_semaphore, #tpu.memory_space<semaphore_mem>>)
    %add3A_39 = arith.constant 16000 : i32
    %add3A_40 = arith.addi %mul3A_25, %add3A_39 : i32
    %dma_start3A_41 = arith.constant 0 : i32
    %dma_start3A_42 = tpu.memref_slice %arg4[%dma_start3A_41] : memref<80000xf32, #tpu.memory_space<vmem>> -> memref<16000xf32, #tpu.memory_space<vmem>>
    %dma_start3A_43 = tpu.memref_slice %arg3[%add3A_40] : memref<12800000xf32, #tpu.memory_space<hbm>> -> memref<16000xf32, #tpu.memory_space<hbm>>
    %dma_start3A_44 = tpu.memref_slice %arg3[%add3A_40] : memref<12800000xf32, #tpu.memory_space<hbm>> -> memref<16000xf32, #tpu.memory_space<hbm>>
    %dma_start3A_45 = arith.constant 0 : i32
    %dma_start3A_46 = tpu.memref_slice %arg4[%dma_start3A_45] : memref<80000xf32, #tpu.memory_space<vmem>> -> memref<16000xf32, #tpu.memory_space<vmem>>
    tpu.enqueue_dma source(%dma_start3A_46 : memref<16000xf32, #tpu.memory_space<vmem>>) target(%dma_start3A_44 : memref<16000xf32, #tpu.memory_space<hbm>>) target_semaphore(%arg5 : memref<!tpu.dma_semaphore, #tpu.memory_space<semaphore_mem>>)
    %add3A_47 = arith.constant 32000 : i32
    %add3A_48 = arith.addi %mul3A_25, %add3A_47 : i32
    %dma_start3A_49 = arith.constant 0 : i32
    %dma_start3A_50 = tpu.memref_slice %arg4[%dma_start3A_49] : memref<80000xf32, #tpu.memory_space<vmem>> -> memref<16000xf32, #tpu.memory_space<vmem>>
    %dma_start3A_51 = tpu.memref_slice %arg3[%add3A_48] : memref<12800000xf32, #tpu.memory_space<hbm>> -> memref<16000xf32, #tpu.memory_space<hbm>>
    %dma_start3A_52 = tpu.memref_slice %arg3[%add3A_48] : memref<12800000xf32, #tpu.memory_space<hbm>> -> memref<16000xf32, #tpu.memory_space<hbm>>
    %dma_start3A_53 = arith.constant 0 : i32
    %dma_start3A_54 = tpu.memref_slice %arg4[%dma_start3A_53] : memref<80000xf32, #tpu.memory_space<vmem>> -> memref<16000xf32, #tpu.memory_space<vmem>>
    tpu.enqueue_dma source(%dma_start3A_54 : memref<16000xf32, #tpu.memory_space<vmem>>) target(%dma_start3A_52 : memref<16000xf32, #tpu.memory_space<hbm>>) target_semaphore(%arg5 : memref<!tpu.dma_semaphore, #tpu.memory_space<semaphore_mem>>)
    %add3A_55 = arith.constant 48000 : i32
    %add3A_56 = arith.addi %mul3A_25, %add3A_55 : i32
    %dma_start3A_57 = arith.constant 0 : i32
    %dma_start3A_58 = tpu.memref_slice %arg4[%dma_start3A_57] : memref<80000xf32, #tpu.memory_space<vmem>> -> memref<16000xf32, #tpu.memory_space<vmem>>
    %dma_start3A_59 = tpu.memref_slice %arg3[%add3A_56] : memref<12800000xf32, #tpu.memory_space<hbm>> -> memref<16000xf32, #tpu.memory_space<hbm>>
    %dma_start3A_60 = tpu.memref_slice %arg3[%add3A_56] : memref<12800000xf32, #tpu.memory_space<hbm>> -> memref<16000xf32, #tpu.memory_space<hbm>>
    %dma_start3A_61 = arith.constant 0 : i32
    %dma_start3A_62 = tpu.memref_slice %arg4[%dma_start3A_61] : memref<80000xf32, #tpu.memory_space<vmem>> -> memref<16000xf32, #tpu.memory_space<vmem>>
    tpu.enqueue_dma source(%dma_start3A_62 : memref<16000xf32, #tpu.memory_space<vmem>>) target(%dma_start3A_60 : memref<16000xf32, #tpu.memory_space<hbm>>) target_semaphore(%arg5 : memref<!tpu.dma_semaphore, #tpu.memory_space<semaphore_mem>>)
    %add3A_63 = arith.constant 64000 : i32
    %add3A_64 = arith.addi %mul3A_25, %add3A_63 : i32
    %dma_start3A_65 = arith.constant 0 : i32
    %dma_start3A_66 = tpu.memref_slice %arg4[%dma_start3A_65] : memref<80000xf32, #tpu.memory_space<vmem>> -> memref<16000xf32, #tpu.memory_space<vmem>>
    %dma_start3A_67 = tpu.memref_slice %arg3[%add3A_64] : memref<12800000xf32, #tpu.memory_space<hbm>> -> memref<16000xf32, #tpu.memory_space<hbm>>
    %dma_start3A_68 = tpu.memref_slice %arg3[%add3A_64] : memref<12800000xf32, #tpu.memory_space<hbm>> -> memref<16000xf32, #tpu.memory_space<hbm>>
    %dma_start3A_69 = arith.constant 0 : i32
    %dma_start3A_70 = tpu.memref_slice %arg4[%dma_start3A_69] : memref<80000xf32, #tpu.memory_space<vmem>> -> memref<16000xf32, #tpu.memory_space<vmem>>
    tpu.enqueue_dma source(%dma_start3A_70 : memref<16000xf32, #tpu.memory_space<vmem>>) target(%dma_start3A_68 : memref<16000xf32, #tpu.memory_space<hbm>>) target_semaphore(%arg5 : memref<!tpu.dma_semaphore, #tpu.memory_space<semaphore_mem>>)
    %scan3A_71 = arith.constant 0 : i32
    %scan3A_72 = arith.constant 0 : i32
    %scan3A_73 = arith.constant 125 : i32
    %scan3A_74 = arith.addi %scan3A_72, %scan3A_73 : i32
    %scan3A_75 = arith.constant 1 : i32
    %scan3A_76 = scf.for %scan3A_139 = %scan3A_72 to %scan3A_74 step %scan3A_75 iter_args(%scan3A_140 = %scan3A_71) -> (i32)  : i32 {
      %mul3A_141 = arith.constant 512 : i32
      %mul3A_142 = arith.muli %scan3A_139, %mul3A_141 : i32
      %add3A_143 = arith.constant 16000 : i32
      %add3A_144 = arith.addi %add3A_143, %mul3A_142 : i32
      %add3A_145 = arith.constant 0 : i32
      %add3A_146 = arith.addi %add3A_144, %add3A_145 : i32
      %swap3A = arith.index_cast %add3A_146 : i32 to index
      %swap3A_147 = tpu.vector_load %arg4[%swap3A] {strides = array<i32>} : memref<80000xf32, #tpu.memory_space<vmem>>, vector<16xf32>,
      %swap3A_148 = vector.shape_cast %swap3A_147 : vector<16xf32> to vector<16xf32>
      %swap3A_149 = vector.shape_cast %get3A_2 : vector<16xf32> to vector<16xf32>
      tpu.vector_store %arg4[%swap3A], %swap3A_149 {strides = array<i32>} : memref<80000xf32, #tpu.memory_space<vmem>>, vector<16xf32>,
      %add3A_150 = arith.constant 16 : i32
      %add3A_151 = arith.addi %add3A_144, %add3A_150 : i32
      %swap3A_152 = arith.index_cast %add3A_151 : i32 to index
      %swap3A_153 = tpu.vector_load %arg4[%swap3A_152] {strides = array<i32>} : memref<80000xf32, #tpu.memory_space<vmem>>, vector<16xf32>,
      %swap3A_154 = vector.shape_cast %swap3A_153 : vector<16xf32> to vector<16xf32>
      %swap3A_155 = vector.shape_cast %get3A_5 : vector<16xf32> to vector<16xf32>
      tpu.vector_store %arg4[%swap3A_152], %swap3A_155 {strides = array<i32>} : memref<80000xf32, #tpu.memory_space<vmem>>, vector<16xf32>,
      %add3A_156 = arith.constant 32 : i32
      %add3A_157 = arith.addi %add3A_144, %add3A_156 : i32
      %swap3A_158 = arith.index_cast %add3A_157 : i32 to index
      %swap3A_159 = tpu.vector_load %arg4[%swap3A_158] {strides = array<i32>} : memref<80000xf32, #tpu.memory_space<vmem>>, vector<16xf32>,
      %swap3A_160 = vector.shape_cast %swap3A_159 : vector<16xf32> to vector<16xf32>
      %swap3A_161 = vector.shape_cast %get3A_8 : vector<16xf32> to vector<16xf32>
      tpu.vector_store %arg4[%swap3A_158], %swap3A_161 {strides = array<i32>} : memref<80000xf32, #tpu.memory_space<vmem>>, vector<16xf32>,
      %add3A_162 = arith.constant 48 : i32
      %add3A_163 = arith.addi %add3A_144, %add3A_162 : i32
      %swap3A_164 = arith.index_cast %add3A_163 : i32 to index
      %swap3A_165 = tpu.vector_load %arg4[%swap3A_164] {strides = array<i32>} : memref<80000xf32, #tpu.memory_space<vmem>>, vector<16xf32>,
      %swap3A_166 = vector.shape_cast %swap3A_165 : vector<16xf32> to vector<16xf32>
      %swap3A_167 = vector.shape_cast %get3A_11 : vector<16xf32> to vector<16xf32>
      tpu.vector_store %arg4[%swap3A_164], %swap3A_167 {strides = array<i32>} : memref<80000xf32, #tpu.memory_space<vmem>>, vector<16xf32>,
      %add3A_168 = arith.constant 64 : i32
      %add3A_169 = arith.addi %add3A_144, %add3A_168 : i32
      %swap3A_170 = arith.index_cast %add3A_169 : i32 to index
      %swap3A_171 = tpu.vector_load %arg4[%swap3A_170] {strides = array<i32>} : memref<80000xf32, #tpu.memory_space<vmem>>, vector<16xf32>,
      %swap3A_172 = vector.shape_cast %swap3A_171 : vector<16xf32> to vector<16xf32>
      %swap3A_173 = vector.shape_cast %get3A_14 : vector<16xf32> to vector<16xf32>
      tpu.vector_store %arg4[%swap3A_170], %swap3A_173 {strides = array<i32>} : memref<80000xf32, #tpu.memory_space<vmem>>, vector<16xf32>,
      %add3A_174 = arith.constant 80 : i32
      %add3A_175 = arith.addi %add3A_144, %add3A_174 : i32
      %swap3A_176 = arith.index_cast %add3A_175 : i32 to index
      %swap3A_177 = tpu.vector_load %arg4[%swap3A_176] {strides = array<i32>} : memref<80000xf32, #tpu.memory_space<vmem>>, vector<16xf32>,
      %swap3A_178 = vector.shape_cast %swap3A_177 : vector<16xf32> to vector<16xf32>
      %swap3A_179 = vector.shape_cast %get3A_17 : vector<16xf32> to vector<16xf32>
      tpu.vector_store %arg4[%swap3A_176], %swap3A_179 {strides = array<i32>} : memref<80000xf32, #tpu.memory_space<vmem>>, vector<16xf32>,
      %add3A_180 = arith.constant 96 : i32
      %add3A_181 = arith.addi %add3A_144, %add3A_180 : i32
      %swap3A_182 = arith.index_cast %add3A_181 : i32 to index
      %swap3A_183 = tpu.vector_load %arg4[%swap3A_182] {strides = array<i32>} : memref<80000xf32, #tpu.memory_space<vmem>>, vector<16xf32>,
      %swap3A_184 = vector.shape_cast %swap3A_183 : vector<16xf32> to vector<16xf32>
      %swap3A_185 = vector.shape_cast %get3A_20 : vector<16xf32> to vector<16xf32>
      tpu.vector_store %arg4[%swap3A_182], %swap3A_185 {strides = array<i32>} : memref<80000xf32, #tpu.memory_space<vmem>>, vector<16xf32>,
      %add3A_186 = arith.constant 112 : i32
      %add3A_187 = arith.addi %add3A_144, %add3A_186 : i32
      %swap3A_188 = arith.index_cast %add3A_187 : i32 to index
      %swap3A_189 = tpu.vector_load %arg4[%swap3A_188] {strides = array<i32>} : memref<80000xf32, #tpu.memory_space<vmem>>, vector<16xf32>,
      %swap3A_190 = vector.shape_cast %swap3A_189 : vector<16xf32> to vector<16xf32>
      %swap3A_191 = vector.shape_cast %get3A_23 : vector<16xf32> to vector<16xf32>
      tpu.vector_store %arg4[%swap3A_188], %swap3A_191 {strides = array<i32>} : memref<80000xf32, #tpu.memory_space<vmem>>, vector<16xf32>,
      %mul3A_192 = arith.constant 512 : i32
      %mul3A_193 = arith.muli %scan3A_139, %mul3A_192 : i32
      %add3A_194 = arith.constant 16128 : i32
      %add3A_195 = arith.addi %add3A_194, %mul3A_193 : i32
      %add3A_196 = arith.constant 0 : i32
      %add3A_197 = arith.addi %add3A_195, %add3A_196 : i32
      %swap3A_198 = arith.index_cast %add3A_197 : i32 to index
      %swap3A_199 = tpu.vector_load %arg4[%swap3A_198] {strides = array<i32>} : memref<80000xf32, #tpu.memory_space<vmem>>, vector<16xf32>,
      %swap3A_200 = vector.shape_cast %swap3A_199 : vector<16xf32> to vector<16xf32>
      %swap3A_201 = vector.shape_cast %get3A_2 : vector<16xf32> to vector<16xf32>
      tpu.vector_store %arg4[%swap3A_198], %swap3A_201 {strides = array<i32>} : memref<80000xf32, #tpu.memory_space<vmem>>, vector<16xf32>,
      %add3A_202 = arith.constant 16 : i32
      %add3A_203 = arith.addi %add3A_195, %add3A_202 : i32
      %swap3A_204 = arith.index_cast %add3A_203 : i32 to index
      %swap3A_205 = tpu.vector_load %arg4[%swap3A_204] {strides = array<i32>} : memref<80000xf32, #tpu.memory_space<vmem>>, vector<16xf32>,
      %swap3A_206 = vector.shape_cast %swap3A_205 : vector<16xf32> to vector<16xf32>
      %swap3A_207 = vector.shape_cast %get3A_5 : vector<16xf32> to vector<16xf32>
      tpu.vector_store %arg4[%swap3A_204], %swap3A_207 {strides = array<i32>} : memref<80000xf32, #tpu.memory_space<vmem>>, vector<16xf32>,
      %add3A_208 = arith.constant 32 : i32
      %add3A_209 = arith.addi %add3A_195, %add3A_208 : i32
      %swap3A_210 = arith.index_cast %add3A_209 : i32 to index
      %swap3A_211 = tpu.vector_load %arg4[%swap3A_210] {strides = array<i32>} : memref<80000xf32, #tpu.memory_space<vmem>>, vector<16xf32>,
      %swap3A_212 = vector.shape_cast %swap3A_211 : vector<16xf32> to vector<16xf32>
      %swap3A_213 = vector.shape_cast %get3A_8 : vector<16xf32> to vector<16xf32>
      tpu.vector_store %arg4[%swap3A_210], %swap3A_213 {strides = array<i32>} : memref<80000xf32, #tpu.memory_space<vmem>>, vector<16xf32>,
      %add3A_214 = arith.constant 48 : i32
      %add3A_215 = arith.addi %add3A_195, %add3A_214 : i32
      %swap3A_216 = arith.index_cast %add3A_215 : i32 to index
      %swap3A_217 = tpu.vector_load %arg4[%swap3A_216] {strides = array<i32>} : memref<80000xf32, #tpu.memory_space<vmem>>, vector<16xf32>,
      %swap3A_218 = vector.shape_cast %swap3A_217 : vector<16xf32> to vector<16xf32>
      %swap3A_219 = vector.shape_cast %get3A_11 : vector<16xf32> to vector<16xf32>
      tpu.vector_store %arg4[%swap3A_216], %swap3A_219 {strides = array<i32>} : memref<80000xf32, #tpu.memory_space<vmem>>, vector<16xf32>,
      %add3A_220 = arith.constant 64 : i32
      %add3A_221 = arith.addi %add3A_195, %add3A_220 : i32
      %swap3A_222 = arith.index_cast %add3A_221 : i32 to index
      %swap3A_223 = tpu.vector_load %arg4[%swap3A_222] {strides = array<i32>} : memref<80000xf32, #tpu.memory_space<vmem>>, vector<16xf32>,
      %swap3A_224 = vector.shape_cast %swap3A_223 : vector<16xf32> to vector<16xf32>
      %swap3A_225 = vector.shape_cast %get3A_14 : vector<16xf32> to vector<16xf32>
      tpu.vector_store %arg4[%swap3A_222], %swap3A_225 {strides = array<i32>} : memref<80000xf32, #tpu.memory_space<vmem>>, vector<16xf32>,
      %add3A_226 = arith.constant 80 : i32
      %add3A_227 = arith.addi %add3A_195, %add3A_226 : i32
      %swap3A_228 = arith.index_cast %add3A_227 : i32 to index
      %swap3A_229 = tpu.vector_load %arg4[%swap3A_228] {strides = array<i32>} : memref<80000xf32, #tpu.memory_space<vmem>>, vector<16xf32>,
      %swap3A_230 = vector.shape_cast %swap3A_229 : vector<16xf32> to vector<16xf32>
      %swap3A_231 = vector.shape_cast %get3A_17 : vector<16xf32> to vector<16xf32>
      tpu.vector_store %arg4[%swap3A_228], %swap3A_231 {strides = array<i32>} : memref<80000xf32, #tpu.memory_space<vmem>>, vector<16xf32>,
      %add3A_232 = arith.constant 96 : i32
      %add3A_233 = arith.addi %add3A_195, %add3A_232 : i32
      %swap3A_234 = arith.index_cast %add3A_233 : i32 to index
      %swap3A_235 = tpu.vector_load %arg4[%swap3A_234] {strides = array<i32>} : memref<80000xf32, #tpu.memory_space<vmem>>, vector<16xf32>,
      %swap3A_236 = vector.shape_cast %swap3A_235 : vector<16xf32> to vector<16xf32>
      %swap3A_237 = vector.shape_cast %get3A_20 : vector<16xf32> to vector<16xf32>
      tpu.vector_store %arg4[%swap3A_234], %swap3A_237 {strides = array<i32>} : memref<80000xf32, #tpu.memory_space<vmem>>, vector<16xf32>,
      %add3A_238 = arith.constant 112 : i32
      %add3A_239 = arith.addi %add3A_195, %add3A_238 : i32
      %swap3A_240 = arith.index_cast %add3A_239 : i32 to index
      %swap3A_241 = tpu.vector_load %arg4[%swap3A_240] {strides = array<i32>} : memref<80000xf32, #tpu.memory_space<vmem>>, vector<16xf32>,
      %swap3A_242 = vector.shape_cast %swap3A_241 : vector<16xf32> to vector<16xf32>
      %swap3A_243 = vector.shape_cast %get3A_23 : vector<16xf32> to vector<16xf32>
      tpu.vector_store %arg4[%swap3A_240], %swap3A_243 {strides = array<i32>} : memref<80000xf32, #tpu.memory_space<vmem>>, vector<16xf32>,
      %mul3A_244 = arith.constant 512 : i32
      %mul3A_245 = arith.muli %scan3A_139, %mul3A_244 : i32
      %add3A_246 = arith.constant 16256 : i32
      %add3A_247 = arith.addi %add3A_246, %mul3A_245 : i32
      %add3A_248 = arith.constant 0 : i32
      %add3A_249 = arith.addi %add3A_247, %add3A_248 : i32
      %swap3A_250 = arith.index_cast %add3A_249 : i32 to index
      %swap3A_251 = tpu.vector_load %arg4[%swap3A_250] {strides = array<i32>} : memref<80000xf32, #tpu.memory_space<vmem>>, vector<16xf32>,
      %swap3A_252 = vector.shape_cast %swap3A_251 : vector<16xf32> to vector<16xf32>
      %swap3A_253 = vector.shape_cast %get3A_2 : vector<16xf32> to vector<16xf32>
      tpu.vector_store %arg4[%swap3A_250], %swap3A_253 {strides = array<i32>} : memref<80000xf32, #tpu.memory_space<vmem>>, vector<16xf32>,
      %add3A_254 = arith.constant 16 : i32
      %add3A_255 = arith.addi %add3A_247, %add3A_254 : i32
      %swap3A_256 = arith.index_cast %add3A_255 : i32 to index
      %swap3A_257 = tpu.vector_load %arg4[%swap3A_256] {strides = array<i32>} : memref<80000xf32, #tpu.memory_space<vmem>>, vector<16xf32>,
      %swap3A_258 = vector.shape_cast %swap3A_257 : vector<16xf32> to vector<16xf32>
      %swap3A_259 = vector.shape_cast %get3A_5 : vector<16xf32> to vector<16xf32>
      tpu.vector_store %arg4[%swap3A_256], %swap3A_259 {strides = array<i32>} : memref<80000xf32, #tpu.memory_space<vmem>>, vector<16xf32>,
      %add3A_260 = arith.constant 32 : i32
      %add3A_261 = arith.addi %add3A_247, %add3A_260 : i32
      %swap3A_262 = arith.index_cast %add3A_261 : i32 to index
      %swap3A_263 = tpu.vector_load %arg4[%swap3A_262] {strides = array<i32>} : memref<80000xf32, #tpu.memory_space<vmem>>, vector<16xf32>,
      %swap3A_264 = vector.shape_cast %swap3A_263 : vector<16xf32> to vector<16xf32>
      %swap3A_265 = vector.shape_cast %get3A_8 : vector<16xf32> to vector<16xf32>
      tpu.vector_store %arg4[%swap3A_262], %swap3A_265 {strides = array<i32>} : memref<80000xf32, #tpu.memory_space<vmem>>, vector<16xf32>,
      %add3A_266 = arith.constant 48 : i32
      %add3A_267 = arith.addi %add3A_247, %add3A_266 : i32
      %swap3A_268 = arith.index_cast %add3A_267 : i32 to index
      %swap3A_269 = tpu.vector_load %arg4[%swap3A_268] {strides = array<i32>} : memref<80000xf32, #tpu.memory_space<vmem>>, vector<16xf32>,
      %swap3A_270 = vector.shape_cast %swap3A_269 : vector<16xf32> to vector<16xf32>
      %swap3A_271 = vector.shape_cast %get3A_11 : vector<16xf32> to vector<16xf32>
      tpu.vector_store %arg4[%swap3A_268], %swap3A_271 {strides = array<i32>} : memref<80000xf32, #tpu.memory_space<vmem>>, vector<16xf32>,
      %add3A_272 = arith.constant 64 : i32
      %add3A_273 = arith.addi %add3A_247, %add3A_272 : i32
      %swap3A_274 = arith.index_cast %add3A_273 : i32 to index
      %swap3A_275 = tpu.vector_load %arg4[%swap3A_274] {strides = array<i32>} : memref<80000xf32, #tpu.memory_space<vmem>>, vector<16xf32>,
      %swap3A_276 = vector.shape_cast %swap3A_275 : vector<16xf32> to vector<16xf32>
      %swap3A_277 = vector.shape_cast %get3A_14 : vector<16xf32> to vector<16xf32>
      tpu.vector_store %arg4[%swap3A_274], %swap3A_277 {strides = array<i32>} : memref<80000xf32, #tpu.memory_space<vmem>>, vector<16xf32>,
      %add3A_278 = arith.constant 80 : i32
      %add3A_279 = arith.addi %add3A_247, %add3A_278 : i32
      %swap3A_280 = arith.index_cast %add3A_279 : i32 to index
      %swap3A_281 = tpu.vector_load %arg4[%swap3A_280] {strides = array<i32>} : memref<80000xf32, #tpu.memory_space<vmem>>, vector<16xf32>,
      %swap3A_282 = vector.shape_cast %swap3A_281 : vector<16xf32> to vector<16xf32>
      %swap3A_283 = vector.shape_cast %get3A_17 : vector<16xf32> to vector<16xf32>
      tpu.vector_store %arg4[%swap3A_280], %swap3A_283 {strides = array<i32>} : memref<80000xf32, #tpu.memory_space<vmem>>, vector<16xf32>,
      %add3A_284 = arith.constant 96 : i32
      %add3A_285 = arith.addi %add3A_247, %add3A_284 : i32
      %swap3A_286 = arith.index_cast %add3A_285 : i32 to index
      %swap3A_287 = tpu.vector_load %arg4[%swap3A_286] {strides = array<i32>} : memref<80000xf32, #tpu.memory_space<vmem>>, vector<16xf32>,
      %swap3A_288 = vector.shape_cast %swap3A_287 : vector<16xf32> to vector<16xf32>
      %swap3A_289 = vector.shape_cast %get3A_20 : vector<16xf32> to vector<16xf32>
      tpu.vector_store %arg4[%swap3A_286], %swap3A_289 {strides = array<i32>} : memref<80000xf32, #tpu.memory_space<vmem>>, vector<16xf32>,
      %add3A_290 = arith.constant 112 : i32
      %add3A_291 = arith.addi %add3A_247, %add3A_290 : i32
      %swap3A_292 = arith.index_cast %add3A_291 : i32 to index
      %swap3A_293 = tpu.vector_load %arg4[%swap3A_292] {strides = array<i32>} : memref<80000xf32, #tpu.memory_space<vmem>>, vector<16xf32>,
      %swap3A_294 = vector.shape_cast %swap3A_293 : vector<16xf32> to vector<16xf32>
      %swap3A_295 = vector.shape_cast %get3A_23 : vector<16xf32> to vector<16xf32>
      tpu.vector_store %arg4[%swap3A_292], %swap3A_295 {strides = array<i32>} : memref<80000xf32, #tpu.memory_space<vmem>>, vector<16xf32>,
      %mul3A_296 = arith.constant 512 : i32
      %mul3A_297 = arith.muli %scan3A_139, %mul3A_296 : i32
      %add3A_298 = arith.constant 16384 : i32
      %add3A_299 = arith.addi %add3A_298, %mul3A_297 : i32
      %add3A_300 = arith.constant 0 : i32
      %add3A_301 = arith.addi %add3A_299, %add3A_300 : i32
      %swap3A_302 = arith.index_cast %add3A_301 : i32 to index
      %swap3A_303 = tpu.vector_load %arg4[%swap3A_302] {strides = array<i32>} : memref<80000xf32, #tpu.memory_space<vmem>>, vector<16xf32>,
      %swap3A_304 = vector.shape_cast %swap3A_303 : vector<16xf32> to vector<16xf32>
      %swap3A_305 = vector.shape_cast %get3A_2 : vector<16xf32> to vector<16xf32>
      tpu.vector_store %arg4[%swap3A_302], %swap3A_305 {strides = array<i32>} : memref<80000xf32, #tpu.memory_space<vmem>>, vector<16xf32>,
      %add3A_306 = arith.constant 16 : i32
      %add3A_307 = arith.addi %add3A_299, %add3A_306 : i32
      %swap3A_308 = arith.index_cast %add3A_307 : i32 to index
      %swap3A_309 = tpu.vector_load %arg4[%swap3A_308] {strides = array<i32>} : memref<80000xf32, #tpu.memory_space<vmem>>, vector<16xf32>,
      %swap3A_310 = vector.shape_cast %swap3A_309 : vector<16xf32> to vector<16xf32>
      %swap3A_311 = vector.shape_cast %get3A_5 : vector<16xf32> to vector<16xf32>
      tpu.vector_store %arg4[%swap3A_308], %swap3A_311 {strides = array<i32>} : memref<80000xf32, #tpu.memory_space<vmem>>, vector<16xf32>,
      %add3A_312 = arith.constant 32 : i32
      %add3A_313 = arith.addi %add3A_299, %add3A_312 : i32
      %swap3A_314 = arith.index_cast %add3A_313 : i32 to index
      %swap3A_315 = tpu.vector_load %arg4[%swap3A_314] {strides = array<i32>} : memref<80000xf32, #tpu.memory_space<vmem>>, vector<16xf32>,
      %swap3A_316 = vector.shape_cast %swap3A_315 : vector<16xf32> to vector<16xf32>
      %swap3A_317 = vector.shape_cast %get3A_8 : vector<16xf32> to vector<16xf32>
      tpu.vector_store %arg4[%swap3A_314], %swap3A_317 {strides = array<i32>} : memref<80000xf32, #tpu.memory_space<vmem>>, vector<16xf32>,
      %add3A_318 = arith.constant 48 : i32
      %add3A_319 = arith.addi %add3A_299, %add3A_318 : i32
      %swap3A_320 = arith.index_cast %add3A_319 : i32 to index
      %swap3A_321 = tpu.vector_load %arg4[%swap3A_320] {strides = array<i32>} : memref<80000xf32, #tpu.memory_space<vmem>>, vector<16xf32>,
      %swap3A_322 = vector.shape_cast %swap3A_321 : vector<16xf32> to vector<16xf32>
      %swap3A_323 = vector.shape_cast %get3A_11 : vector<16xf32> to vector<16xf32>
      tpu.vector_store %arg4[%swap3A_320], %swap3A_323 {strides = array<i32>} : memref<80000xf32, #tpu.memory_space<vmem>>, vector<16xf32>,
      %add3A_324 = arith.constant 64 : i32
      %add3A_325 = arith.addi %add3A_299, %add3A_324 : i32
      %swap3A_326 = arith.index_cast %add3A_325 : i32 to index
      %swap3A_327 = tpu.vector_load %arg4[%swap3A_326] {strides = array<i32>} : memref<80000xf32, #tpu.memory_space<vmem>>, vector<16xf32>,
      %swap3A_328 = vector.shape_cast %swap3A_327 : vector<16xf32> to vector<16xf32>
      %swap3A_329 = vector.shape_cast %get3A_14 : vector<16xf32> to vector<16xf32>
      tpu.vector_store %arg4[%swap3A_326], %swap3A_329 {strides = array<i32>} : memref<80000xf32, #tpu.memory_space<vmem>>, vector<16xf32>,
      %add3A_330 = arith.constant 80 : i32
      %add3A_331 = arith.addi %add3A_299, %add3A_330 : i32
      %swap3A_332 = arith.index_cast %add3A_331 : i32 to index
      %swap3A_333 = tpu.vector_load %arg4[%swap3A_332] {strides = array<i32>} : memref<80000xf32, #tpu.memory_space<vmem>>, vector<16xf32>,
      %swap3A_334 = vector.shape_cast %swap3A_333 : vector<16xf32> to vector<16xf32>
      %swap3A_335 = vector.shape_cast %get3A_17 : vector<16xf32> to vector<16xf32>
      tpu.vector_store %arg4[%swap3A_332], %swap3A_335 {strides = array<i32>} : memref<80000xf32, #tpu.memory_space<vmem>>, vector<16xf32>,
      %add3A_336 = arith.constant 96 : i32
      %add3A_337 = arith.addi %add3A_299, %add3A_336 : i32
      %swap3A_338 = arith.index_cast %add3A_337 : i32 to index
      %swap3A_339 = tpu.vector_load %arg4[%swap3A_338] {strides = array<i32>} : memref<80000xf32, #tpu.memory_space<vmem>>, vector<16xf32>,
      %swap3A_340 = vector.shape_cast %swap3A_339 : vector<16xf32> to vector<16xf32>
      %swap3A_341 = vector.shape_cast %get3A_20 : vector<16xf32> to vector<16xf32>
      tpu.vector_store %arg4[%swap3A_338], %swap3A_341 {strides = array<i32>} : memref<80000xf32, #tpu.memory_space<vmem>>, vector<16xf32>,
      %add3A_342 = arith.constant 112 : i32
      %add3A_343 = arith.addi %add3A_299, %add3A_342 : i32
      %swap3A_344 = arith.index_cast %add3A_343 : i32 to index
      %swap3A_345 = tpu.vector_load %arg4[%swap3A_344] {strides = array<i32>} : memref<80000xf32, #tpu.memory_space<vmem>>, vector<16xf32>,
      %swap3A_346 = vector.shape_cast %swap3A_345 : vector<16xf32> to vector<16xf32>
      %swap3A_347 = vector.shape_cast %get3A_23 : vector<16xf32> to vector<16xf32>
      tpu.vector_store %arg4[%swap3A_344], %swap3A_347 {strides = array<i32>} : memref<80000xf32, #tpu.memory_space<vmem>>, vector<16xf32>,
      %scan3A_348 = arith.constant 0 : i32
      scf.yield %scan3A_348 : i32
    }
    %scan3A_77 = arith.constant 125 : i32
    %add3A_78 = arith.constant 80000 : i32
    %add3A_79 = arith.addi %mul3A_25, %add3A_78 : i32
    %add3A_80 = arith.constant 0 : i32
    %add3A_81 = arith.addi %add3A_79, %add3A_80 : i32
    %dma_start3A_82 = tpu.memref_slice %arg3[%add3A_81] : memref<12800000xf32, #tpu.memory_space<hbm>> -> memref<80000xf32, #tpu.memory_space<hbm>>
    %dma_start3A_83 = tpu.memref_slice %arg3[%add3A_81] : memref<12800000xf32, #tpu.memory_space<hbm>> -> memref<80000xf32, #tpu.memory_space<hbm>>
    tpu.enqueue_dma source(%arg4 : memref<80000xf32, #tpu.memory_space<vmem>>) target(%dma_start3A_83 : memref<80000xf32, #tpu.memory_space<hbm>>) target_semaphore(%arg5 : memref<!tpu.dma_semaphore, #tpu.memory_space<semaphore_mem>>)
    %add3A_84 = arith.constant 80000 : i32
    %add3A_85 = arith.addi %mul3A_25, %add3A_84 : i32
    %add3A_86 = arith.constant 80000 : i32
    %add3A_87 = arith.addi %add3A_85, %add3A_86 : i32
    %dma_start3A_88 = tpu.memref_slice %arg3[%add3A_87] : memref<12800000xf32, #tpu.memory_space<hbm>> -> memref<80000xf32, #tpu.memory_space<hbm>>
    %dma_start3A_89 = tpu.memref_slice %arg3[%add3A_87] : memref<12800000xf32, #tpu.memory_space<hbm>> -> memref<80000xf32, #tpu.memory_space<hbm>>
    tpu.enqueue_dma source(%arg4 : memref<80000xf32, #tpu.memory_space<vmem>>) target(%dma_start3A_89 : memref<80000xf32, #tpu.memory_space<hbm>>) target_semaphore(%arg5 : memref<!tpu.dma_semaphore, #tpu.memory_space<semaphore_mem>>)
    %add3A_90 = arith.constant 80000 : i32
    %add3A_91 = arith.addi %mul3A_25, %add3A_90 : i32
    %add3A_92 = arith.constant 160000 : i32
    %add3A_93 = arith.addi %add3A_91, %add3A_92 : i32
    %dma_start3A_94 = tpu.memref_slice %arg3[%add3A_93] : memref<12800000xf32, #tpu.memory_space<hbm>> -> memref<80000xf32, #tpu.memory_space<hbm>>
    %dma_start3A_95 = tpu.memref_slice %arg3[%add3A_93] : memref<12800000xf32, #tpu.memory_space<hbm>> -> memref<80000xf32, #tpu.memory_space<hbm>>
    tpu.enqueue_dma source(%arg4 : memref<80000xf32, #tpu.memory_space<vmem>>) target(%dma_start3A_95 : memref<80000xf32, #tpu.memory_space<hbm>>) target_semaphore(%arg5 : memref<!tpu.dma_semaphore, #tpu.memory_space<semaphore_mem>>)
    %add3A_96 = arith.constant 80000 : i32
    %add3A_97 = arith.addi %mul3A_25, %add3A_96 : i32
    %add3A_98 = arith.constant 240000 : i32
    %add3A_99 = arith.addi %add3A_97, %add3A_98 : i32
    %dma_start3A_100 = tpu.memref_slice %arg3[%add3A_99] : memref<12800000xf32, #tpu.memory_space<hbm>> -> memref<80000xf32, #tpu.memory_space<hbm>>
    %dma_start3A_101 = tpu.memref_slice %arg3[%add3A_99] : memref<12800000xf32, #tpu.memory_space<hbm>> -> memref<80000xf32, #tpu.memory_space<hbm>>
    tpu.enqueue_dma source(%arg4 : memref<80000xf32, #tpu.memory_space<vmem>>) target(%dma_start3A_101 : memref<80000xf32, #tpu.memory_space<hbm>>) target_semaphore(%arg5 : memref<!tpu.dma_semaphore, #tpu.memory_space<semaphore_mem>>)
    %dma_wait3A = arith.constant 0 : i32
    %dma_wait3A_102 = tpu.memref_slice %arg4[%dma_wait3A] : memref<80000xf32, #tpu.memory_space<vmem>> -> memref<16000xf32, #tpu.memory_space<vmem>>
    %dma_wait3A_103 = tpu.memref_slice %arg3[%add3A_33] : memref<12800000xf32, #tpu.memory_space<hbm>> -> memref<16000xf32, #tpu.memory_space<hbm>>
    %dma_wait3A_104 = tpu.memref_slice %arg3[%add3A_33] : memref<12800000xf32, #tpu.memory_space<hbm>> -> memref<16000xf32, #tpu.memory_space<hbm>>
    %dma_wait3A_105 = arith.constant 0 : i32
    %dma_wait3A_106 = tpu.memref_slice %arg4[%dma_wait3A_105] : memref<80000xf32, #tpu.memory_space<vmem>> -> memref<16000xf32, #tpu.memory_space<vmem>>
    tpu.wait_dma2 semaphore(%arg5 : memref<!tpu.dma_semaphore, #tpu.memory_space<semaphore_mem>>) src(%dma_wait3A_106 : memref<16000xf32, #tpu.memory_space<vmem>>) dst(%dma_wait3A_104 : memref<16000xf32, #tpu.memory_space<hbm>>)
    %dma_wait3A_107 = arith.constant 0 : i32
    %dma_wait3A_108 = tpu.memref_slice %arg4[%dma_wait3A_107] : memref<80000xf32, #tpu.memory_space<vmem>> -> memref<16000xf32, #tpu.memory_space<vmem>>
    %dma_wait3A_109 = tpu.memref_slice %arg3[%add3A_40] : memref<12800000xf32, #tpu.memory_space<hbm>> -> memref<16000xf32, #tpu.memory_space<hbm>>
    %dma_wait3A_110 = tpu.memref_slice %arg3[%add3A_40] : memref<12800000xf32, #tpu.memory_space<hbm>> -> memref<16000xf32, #tpu.memory_space<hbm>>
    %dma_wait3A_111 = arith.constant 0 : i32
    %dma_wait3A_112 = tpu.memref_slice %arg4[%dma_wait3A_111] : memref<80000xf32, #tpu.memory_space<vmem>> -> memref<16000xf32, #tpu.memory_space<vmem>>
    tpu.wait_dma2 semaphore(%arg5 : memref<!tpu.dma_semaphore, #tpu.memory_space<semaphore_mem>>) src(%dma_wait3A_112 : memref<16000xf32, #tpu.memory_space<vmem>>) dst(%dma_wait3A_110 : memref<16000xf32, #tpu.memory_space<hbm>>)
    %dma_wait3A_113 = arith.constant 0 : i32
    %dma_wait3A_114 = tpu.memref_slice %arg4[%dma_wait3A_113] : memref<80000xf32, #tpu.memory_space<vmem>> -> memref<16000xf32, #tpu.memory_space<vmem>>
    %dma_wait3A_115 = tpu.memref_slice %arg3[%add3A_48] : memref<12800000xf32, #tpu.memory_space<hbm>> -> memref<16000xf32, #tpu.memory_space<hbm>>
    %dma_wait3A_116 = tpu.memref_slice %arg3[%add3A_48] : memref<12800000xf32, #tpu.memory_space<hbm>> -> memref<16000xf32, #tpu.memory_space<hbm>>
    %dma_wait3A_117 = arith.constant 0 : i32
    %dma_wait3A_118 = tpu.memref_slice %arg4[%dma_wait3A_117] : memref<80000xf32, #tpu.memory_space<vmem>> -> memref<16000xf32, #tpu.memory_space<vmem>>
    tpu.wait_dma2 semaphore(%arg5 : memref<!tpu.dma_semaphore, #tpu.memory_space<semaphore_mem>>) src(%dma_wait3A_118 : memref<16000xf32, #tpu.memory_space<vmem>>) dst(%dma_wait3A_116 : memref<16000xf32, #tpu.memory_space<hbm>>)
    %dma_wait3A_119 = arith.constant 0 : i32
    %dma_wait3A_120 = tpu.memref_slice %arg4[%dma_wait3A_119] : memref<80000xf32, #tpu.memory_space<vmem>> -> memref<16000xf32, #tpu.memory_space<vmem>>
    %dma_wait3A_121 = tpu.memref_slice %arg3[%add3A_56] : memref<12800000xf32, #tpu.memory_space<hbm>> -> memref<16000xf32, #tpu.memory_space<hbm>>
    %dma_wait3A_122 = tpu.memref_slice %arg3[%add3A_56] : memref<12800000xf32, #tpu.memory_space<hbm>> -> memref<16000xf32, #tpu.memory_space<hbm>>
    %dma_wait3A_123 = arith.constant 0 : i32
    %dma_wait3A_124 = tpu.memref_slice %arg4[%dma_wait3A_123] : memref<80000xf32, #tpu.memory_space<vmem>> -> memref<16000xf32, #tpu.memory_space<vmem>>
    tpu.wait_dma2 semaphore(%arg5 : memref<!tpu.dma_semaphore, #tpu.memory_space<semaphore_mem>>) src(%dma_wait3A_124 : memref<16000xf32, #tpu.memory_space<vmem>>) dst(%dma_wait3A_122 : memref<16000xf32, #tpu.memory_space<hbm>>)
    %dma_wait3A_125 = arith.constant 0 : i32
    %dma_wait3A_126 = tpu.memref_slice %arg4[%dma_wait3A_125] : memref<80000xf32, #tpu.memory_space<vmem>> -> memref<16000xf32, #tpu.memory_space<vmem>>
    %dma_wait3A_127 = tpu.memref_slice %arg3[%add3A_64] : memref<12800000xf32, #tpu.memory_space<hbm>> -> memref<16000xf32, #tpu.memory_space<hbm>>
    %dma_wait3A_128 = tpu.memref_slice %arg3[%add3A_64] : memref<12800000xf32, #tpu.memory_space<hbm>> -> memref<16000xf32, #tpu.memory_space<hbm>>
    %dma_wait3A_129 = arith.constant 0 : i32
    %dma_wait3A_130 = tpu.memref_slice %arg4[%dma_wait3A_129] : memref<80000xf32, #tpu.memory_space<vmem>> -> memref<16000xf32, #tpu.memory_space<vmem>>
    tpu.wait_dma2 semaphore(%arg5 : memref<!tpu.dma_semaphore, #tpu.memory_space<semaphore_mem>>) src(%dma_wait3A_130 : memref<16000xf32, #tpu.memory_space<vmem>>) dst(%dma_wait3A_128 : memref<16000xf32, #tpu.memory_space<hbm>>)
    %dma_wait3A_131 = tpu.memref_slice %arg3[%add3A_81] : memref<12800000xf32, #tpu.memory_space<hbm>> -> memref<80000xf32, #tpu.memory_space<hbm>>
    %dma_wait3A_132 = tpu.memref_slice %arg3[%add3A_81] : memref<12800000xf32, #tpu.memory_space<hbm>> -> memref<80000xf32, #tpu.memory_space<hbm>>
    tpu.wait_dma2 semaphore(%arg5 : memref<!tpu.dma_semaphore, #tpu.memory_space<semaphore_mem>>) src(%arg4 : memref<80000xf32, #tpu.memory_space<vmem>>) dst(%dma_wait3A_132 : memref<80000xf32, #tpu.memory_space<hbm>>)
    %dma_wait3A_133 = tpu.memref_slice %arg3[%add3A_87] : memref<12800000xf32, #tpu.memory_space<hbm>> -> memref<80000xf32, #tpu.memory_space<hbm>>
    %dma_wait3A_134 = tpu.memref_slice %arg3[%add3A_87] : memref<12800000xf32, #tpu.memory_space<hbm>> -> memref<80000xf32, #tpu.memory_space<hbm>>
    tpu.wait_dma2 semaphore(%arg5 : memref<!tpu.dma_semaphore, #tpu.memory_space<semaphore_mem>>) src(%arg4 : memref<80000xf32, #tpu.memory_space<vmem>>) dst(%dma_wait3A_134 : memref<80000xf32, #tpu.memory_space<hbm>>)
    %dma_wait3A_135 = tpu.memref_slice %arg3[%add3A_93] : memref<12800000xf32, #tpu.memory_space<hbm>> -> memref<80000xf32, #tpu.memory_space<hbm>>
    %dma_wait3A_136 = tpu.memref_slice %arg3[%add3A_93] : memref<12800000xf32, #tpu.memory_space<hbm>> -> memref<80000xf32, #tpu.memory_space<hbm>>
    tpu.wait_dma2 semaphore(%arg5 : memref<!tpu.dma_semaphore, #tpu.memory_space<semaphore_mem>>) src(%arg4 : memref<80000xf32, #tpu.memory_space<vmem>>) dst(%dma_wait3A_136 : memref<80000xf32, #tpu.memory_space<hbm>>)
    %dma_wait3A_137 = tpu.memref_slice %arg3[%add3A_99] : memref<12800000xf32, #tpu.memory_space<hbm>> -> memref<80000xf32, #tpu.memory_space<hbm>>
    %dma_wait3A_138 = tpu.memref_slice %arg3[%add3A_99] : memref<12800000xf32, #tpu.memory_space<hbm>> -> memref<80000xf32, #tpu.memory_space<hbm>>
    tpu.wait_dma2 semaphore(%arg5 : memref<!tpu.dma_semaphore, #tpu.memory_space<semaphore_mem>>) src(%arg4 : memref<80000xf32, #tpu.memory_space<vmem>>) dst(%dma_wait3A_138 : memref<80000xf32, #tpu.memory_space<hbm>>)
    return
  }
}

</mosaic_0001>

<sc_bundles>
// kernel: kernel.3.cloned.1.call-start
scs
__scs_entry_jumppad:
0x0: {  	(pc) =	sbr.rel $0x88, $3  }
0x1: {  	(tag) =	ssettag $0x0;
	lr =	simm.s32 $0x1  }
0x2: {  	[smem:$0x3FA0] =	sst lr;
	_ =	strace $0xD0000000  }
0x3: {  	_ = 	snop  }
0x4: {  	_ = 	snop  }
0x5: {  	_ = 	snop  }
0x6: {  	_ = 	snop  }
0x7: {  	_ = 	snop  }
__scs_overlays_trampoline_lowered:
0x8: {  	[smem:$0x3FAF] =	sst s0  }
0x9: {  	[smem:$0x3FB0] =	sst s1  }
0xa: {  	[smem:$0x3FB1] =	sst s2  }
0xb: {  	[smem:$0x3FB2] =	sst s3  }
0xc: {  	[smem:$0x3FB3] =	sst s4  }
0xd: {  	[smem:$0x3FB4] =	sst s5  }
0xe: {  	[smem:$0x3FB5] =	sst s6  }
0xf: {  	[smem:$0x3FB6] =	sst s7  }
0x10: {  	[smem:$0x3FB7] =	sst s8  }
0x11: {  	[smem:$0x3FB8] =	sst s9;
	s0 =	simm.s32 @!p0 $0x0  }
0x12: {  	s1 =	sld [smem:$0x3F9E];
	s0 =	simm.s32 @p0 $0x1  }
0x13: {  	[smem:$0x3FB9] =	sst s0;
	s0 =	simm.s32 @!p1 $0x0  }
0x14: {  	s2 =	sld [smem:$0x3F9D];
	s0 =	simm.s32 @p1 $0x1  }
0x15: {  	[smem:$0x3FBA] =	sst s0;
	s0 =	simm.s32 @!p2 $0x0  }
0x16: {  	s3 =	sld [smem:$0x3FDB];
	s0 =	simm.s32 @p2 $0x1  }
0x17: {  	s4 =	simm.s32 $0x1BF5;
	[smem:$0x3FBC] =	sst s0  }
0x18: {  	s0 =	sld [smem:$0x3F9F];
	_ =	swait.ge [sflag:s4], $0x0  }
0x19: {  	s7 =	sld [smem:$0x3FA0]  }
0x1a: {  	s8 =	sadd.s32 $0xFFFFE003, lr  }
0x1b: {  	s9 =	sadd.s32 $0xFFFFFEF7, lr;
	s5 =	simm.s32 $0xFFFFFFFF;
	p2 =	slt.u32 s8, $0xFFFFF086  }
0x1c: {  	p1 =	slt.u32 s9, $0xF7A;
	s5 =	simm.s32 @!p2 $0x0  }
0x1d: {  	s5 =	simm.s32 @p1 $0x1;
	p0 =	seq.s32 s7, s2  }
0x1e: {  	s7 =	smul.u32 @!p0 $0xF7A, s2;
	p2 =	seq.s32 @!p0 s5, $0x0  }
0x1f: {  	s9 =	smul.u32 $0xF7A, s1;
	s8 =	simm.s32 @!p0 $0x1BF5;
	p2 =	por !p2, p0  }
0x20: {  	[sflag:s8] =	ssyncset.s32 @!p0 $0xFFFFF086;
	s6 =	sadd.s32 @!p0 s3, s7;
	s7 =	simm.s32 @!p0 $0x108  }
0x21: {  	s3 =	sadd.s32 s3, s9;
	s6 =	sadd.s32 @!p0 $0x88, s6;
	s7 =	simm.s32 @p2 $0x1082  }
0x22: {  	[simem:s7], [sflag:s8] =	dma.local @!p0 [hbm:s6], $0xF7A  }
0x23: {  	s9 =	sor.u32 $0xD0000000, s2;
	s6 =	simm.s32 $0x108;
	_ =	swait.ge @!p0 [sflag:s8], $0x0  }
0x24: {  	s3 =	sadd.s32 $0x88, s3;
	s6 =	simm.s32 @!p1 $0x1082;
	[sflag:s4] =	ssyncset.s32 $0xFFFFF086  }
0x25: {  	[simem:s6], [sflag:s4] =	dma.local [hbm:s3], $0xF7A  }
0x26: {  	[smem:$0x3FA0] =	sst s1;
	(tag) =	ssettag s2;
	_ =	strace s9  }
0x27: {  	s1 =	sld [smem:$0x3FB0]  }
0x28: {  	s2 =	sld [smem:$0x3FB1]  }
0x29: {  	s4 =	sld [smem:$0x3FB3]  }
0x2a: {  	p0 =	seq.s32 s5, $0x0;
	s5 =	sld [smem:$0x3FB4]  }
0x2b: {  	s6 =	sld [smem:$0x3FB5]  }
0x2c: {  	s7 =	sld [smem:$0x3FB6]  }
0x2d: {  	s3 =	simm.s32 $0x108;
	s8 =	sld [smem:$0x3FB7]  }
0x2e: {  	s3 =	simm.s32 @!p0 $0x1082;
	s9 =	sld [smem:$0x3FB8]  }
0x2f: {  	lr =	sadd.s32 s0, s3;
	s0 =	sld [smem:$0x3FAF]  }
0x30: {  	s3 =	sld [smem:$0x3FB2]  }
0x31: {  	[smem:$0x3FBB] =	sst s10  }
0x32: {  	s10 =	sld [smem:$0x3FB9];
	_ =	sdelay $0x3  }
0x33: {  	p0 =	seq.s32 s10, $0x1;
	s10 =	sld [smem:$0x3FBB];
	_ =	sdelay $0x3  }
0x34: {  	[smem:$0x3FBB] =	sst s10  }
0x35: {  	s10 =	sld [smem:$0x3FBA];
	_ =	sdelay $0x3  }
0x36: {  	p1 =	seq.s32 s10, $0x1;
	s10 =	sld [smem:$0x3FBB];
	_ =	sdelay $0x3  }
0x37: {  	[smem:$0x3FBB] =	sst s10  }
0x38: {  	s10 =	sld [smem:$0x3FBC]  }
0x39: {  	_ = 	snop;
	(pc) =	sbr.ind lr, $3  }
0x3a: {  	_ = 	snop  }
0x3b: {  	_ = 	snop  }
0x3c: {  	p2 =	seq.s32 s10, $0x1;
	s10 =	sld [smem:$0x3FBB]  }
0x3d: {  	_ =	shalt  }
0x3e: {  	_ =	shalt  }
0x3f: {  	_ =	shalt  }
0x40: {  	_ =	shalt  }
0x41: {  	_ =	shalt  }
0x42: {  	_ =	shalt  }
0x43: {  	_ =	shalt  }
0x44: {  	_ =	shalt  }
0x45: {  	_ =	shalt  }
0x46: {  	_ =	shalt  }
0x47: {  	_ =	shalt  }
0x48: {  	_ =	shalt  }
0x49: {  	_ =	shalt  }
0x4a: {  	_ =	shalt  }
0x4b: {  	_ =	shalt  }
0x4c: {  	_ =	shalt  }
0x4d: {  	_ =	shalt  }
0x4e: {  	_ =	shalt  }
0x4f: {  	_ =	shalt  }
0x50: {  	_ =	shalt  }
0x51: {  	_ =	shalt  }
0x52: {  	_ =	shalt  }
0x53: {  	_ =	shalt  }
0x54: {  	_ =	shalt  }
0x55: {  	_ =	shalt  }
0x56: {  	_ =	shalt  }
0x57: {  	_ =	shalt  }
0x58: {  	_ =	shalt  }
0x59: {  	_ =	shalt  }
0x5a: {  	_ =	shalt  }
0x5b: {  	_ =	shalt  }
0x5c: {  	_ =	shalt  }
0x5d: {  	_ =	shalt  }
0x5e: {  	_ =	shalt  }
0x5f: {  	_ =	shalt  }
0x60: {  	_ =	shalt  }
0x61: {  	_ =	shalt  }
0x62: {  	_ =	shalt  }
0x63: {  	_ =	shalt  }
0x64: {  	_ =	shalt  }
0x65: {  	_ =	shalt  }
0x66: {  	_ =	shalt  }
0x67: {  	_ =	shalt  }
0x68: {  	_ =	shalt  }
0x69: {  	_ =	shalt  }
0x6a: {  	_ =	shalt  }
0x6b: {  	_ =	shalt  }
0x6c: {  	_ =	shalt  }
0x6d: {  	_ =	shalt  }
0x6e: {  	_ =	shalt  }
0x6f: {  	_ =	shalt  }
0x70: {  	_ =	shalt  }
0x71: {  	_ =	shalt  }
0x72: {  	_ =	shalt  }
0x73: {  	_ =	shalt  }
0x74: {  	_ =	shalt  }
0x75: {  	_ =	shalt  }
0x76: {  	_ =	shalt  }
0x77: {  	_ =	shalt  }
0x78: {  	_ =	shalt  }
0x79: {  	_ =	shalt  }
0x7a: {  	_ =	shalt  }
0x7b: {  	_ =	shalt  }
0x7c: {  	_ =	shalt  }
0x7d: {  	_ =	shalt  }
0x7e: {  	_ =	shalt  }
0x7f: {  	_ =	shalt  }
0x80: {  	_ =	shalt  }
0x81: {  	_ =	shalt  }
0x82: {  	_ =	shalt  }
0x83: {  	_ =	shalt  }
0x84: {  	_ =	shalt  }
0x85: {  	_ =	shalt  }
0x86: {  	_ =	shalt  }
0x87: {  	_ =	shalt  }
.Lfunc_end0:
.L_simem_size_0:
called_computation_lowered:
.L_overlay_start_0:
0x88: {  	s2 =	sld [smem:$0x3FD9]  }
0x89: {  	s3 =	sld [smem:$0x3FFE];
	_ =	sdelay $0x1  }
0x8a: {  	s1 =	srdreg.scid  }
0x8b: {  	s0 =	sand.u32 $0x1, s1  }
0x8c: {  	s18 =	sshll.u32 s0, $0xA;
	s2 =	sadd.s32 s3, s2  }
0x8d: {  	s2 =	sadd.s32 s2, s18  }
0x8e: {  	[smem:$0x3FC7] =	sst s2  }
0x8f: {  	_ = 	snop  }
0x90: {  	s2 =	sld [smem:$0x3FC9]  }
0x91: {  	s19 =	sld [smem:$0x3FD0];
	(tm) =	ssettm $0x1  }
0x92: {  	s4 =	sld [smem:$0x3FFB];
	_ =	sdelay $0x3  }
0x93: {  	_ =	strace s4  }
0x94: {  	s4 =	sld [smem:$0x3FFC];
	_ =	sdelay $0x3  }
0x95: {  	_ =	strace s4  }
0x96: {  	s4 =	sld [smem:$0x3FFD];
	_ =	sdelay $0x3  }
0x97: {  	_ =	strace s4  }
0x98: {  	_ =	strace $0x8FFFFFFF  }
0x99: {  	s20 =	sld [smem:$0x3FDB];
	_ =	sdelay $0x1  }
0x9a: {  	s5 =	simm.s32 $_scs_section_size  }
0x9b: {  	s6 =	simm.s32 $_size__tile_overlayer_lowered;
	s7 =	simm.s32 $_tile_overlayer_lowered  }
0x9c: {  	s23 =	simm.s32 $0x1BFF;
	s22 =	sshll.u32 s7, $0x1;
	s4 =	sadd.s32 s5, s20  }
0x9d: {  	s8 =	simm.s32 $0x0;
	s21 =	sshll.u32 s6, $0x1;
	s6 =	sadd.s32 s22, s4  }
0x9e: {  	[timem:s8], [sflag:s23] =	dma.local [hbm:s6], s21  }
0x9f: {  	_ =	swait.ge [sflag:s23], s21  }
0xa0: {  	s5 =	ssub.s32 $0x0, s21;
	[sflag:s23] =	ssyncset.done $0x0  }
0xa1: {  	[sflag:s23] =	ssyncadd.s32 s5;
	_ =	sdelay $0x1  }
0xa2: {  	s24 =	simm.s32 $0x1B8B  }
0xa3: {  	_ =	swait.ge [sflag:s24], $0x1  }
0xa4: {  	[sflag:s24] =	ssyncset.done $0x0  }
0xa5: {  	s25 =	simm.s32 $0x1B8E;
	[sflag:s24] =	ssyncadd.s32 $0xFFFFFFFF  }
0xa6: {  	s26 =	simm.s32 $execute0_lowered;
	[smem:$0x3FD2] =	sst s25  }
0xa7: {  	s5 =	sshll.u32 s26, $0x1;
	_ =	strace $0x80000046;
	[dreg:$0x1] =	wrdreg $0xFFFFFFFF  }
0xa8: {  	s28 =	simm.s32 $_size_execute0_lowered;
	s4 =	sadd.s32 s4, s5;
	[dreg:$0x0] =	wrdreg $0x0  }
0xa9: {  	s5 =	sshll.u32 s28, $0x1;
	[dreg:$0x2] =	wrdreg s4  }
0xaa: {  	[dreg:$0x3] =	wrdreg s5  }
0xab: {  	[dreg:$0x4] =	wrdreg $0xC0  }
0xac: {  	_ =	task [dreg:s8], $0x5FFFF  }
0xad: {  	[dreg:$0x1] =	wrdreg $0xFFFFFFFF  }
0xae: {  	[dreg:$0x0] =	wrdreg $0x60  }
0xaf: {  	[dreg:$0x2] =	wrdreg s2  }
0xb0: {  	[dreg:$0x3] =	wrdreg s19  }
0xb1: {  	[dreg:$0x4] =	wrdreg $0x9  }
0xb2: {  	_ =	task.clear_ibuf [dreg:s8], $0x5FFFF;
	_ =	strace $0x90000046  }
0xb3: {  	s29 =	simm.s32 $0x9;
	_ =	strace $0x80000048  }
0xb4: {  	_ =	swait.ge [sflag:s29], $0x1  }
0xb5: {  	[sflag:s29] =	ssyncadd.s32 $0xFFFFFFFF  }
0xb6: {  	_ =	strace $0x90000048  }
0xb7: {  	_ =	sfence  }
0xb8: {  	s30 =	sld [smem:$0x0];
	_ =	sdelay $0x2  }
0xb9: {  	s31 =	sshll.u32 s1, $0xD;
	s1 =	sshrl.u32 s1, $0x2  }
0xba: {  	s3 =	sand.u32 $0x4000, s31;
	s1 =	sadd.s32 s1, s30  }
0xbb: {  	s0 =	sor.u32 s3, s0;
	s1 =	sshll.u32 s1, $0x11  }
0xbc: {  	s0 =	sor.u32 s1, s0  }
0xbd: {  	s0 =	sadd.s32 $0x8F2B, s0  }
0xbe: {  	[sflag:s0] =	ssyncadd.remote.s32 $0x1  }
0xbf: {  	_ =	sfence.sel $0xFFFF  }
0xc0: {  	[dreg:$0x0] =	wrdreg $0xFFFFFFFF;
	(pc) =	sbr.abs _section_cstart, $3  }
0xc1: {  	[dreg:$0x1] =	wrdreg $0xFFFFFFFF  }
0xc2: {  	_ =	task.clear_ibuf [dreg:s8], $0x2FFFF;
	_ =	strace $0x9FFFFFFF  }
0xc3: {  	(tm) =	ssettm $0x7FFFFFFF  }
tec
execute0_lowered:
.L_overlay_start_1:
0x0: {  	(tag) =	ssettag $0x1  }
0x1: {  	s1 =	srdreg.scid;
	s0 =	stileid.u32  }
0x2: {  	s2 =	rddreg [dreg:$0x0];
	s4 =	sand.u32 $0x1, s1;
	s31 =	sshll.u32 s0, $0x1  }
0x3: {  	s5 =	rddreg [dreg:$0x1];
	s3 =	simm.s32 $0x0;
	s1 =	sor.u32 s4, s31  }
0x4: {  	s14 =	simm.s32 $0x2;
	s15 =	simm.s32 $0x1;
	s6 =	smul.u32 $0x61A80, s1  }
0x5: {  	s16 =	simm.s32 $0x0;
	[smem:$0x7FF] =	sst s3;
	s4 =	ssub.s32 $0x2, s4  }
0x6: {  	s1 =	rddreg [dreg:$0x2];
	s7 =	sshrl.u32 s4, $0x1;
	s6 =	sshrl.u32 s6, $0x3  }
0x7: {  	_ =	strace $0x80000047;
	s13 =	ssub.s32 s4, s7;
	s4 =	sadd.s32 s5, s6  }
0x8: {  	s13 =	smax.u32 s13, $0x1;
	s5 =	sadd.s32 $0x7D0, s4;
	s6 =	sadd.s32 $0xFA0, s4  }
0x9: {  	s7 =	sadd.s32 $0x1770, s4;
	s8 =	sadd.s32 $0x1F40, s4;
	s9 =	sadd.s32 $0x2710, s4  }
0xa: {  	s10 =	sadd.s32 $0x4E20, s4;
	s11 =	sadd.s32 $0x7530, s4;
	s12 =	sadd.s32 $0x9C40, s4  }
.LBB2_1:
0xb: {  	[tilespmem:s3], [sflag:$0x2] =	stream.linear.gather [hbm4b:s2+s3], $0x80, $0x38;
	[tilespmem:$0x13880] =	vst v63  }
0xc: {  	_ =	swait.ge [sflag:s14], $0x80  }
0xd: {  	[sflag:s14] =	ssyncset.done $0x0  }
0xe: {  	[sflag:s14] =	ssyncadd.s32 $0xFFFFFF80  }
0xf: {  	v0 =	vld [tilespmem:$0x0]  }
0x10: {  	v1 =	vld [tilespmem:$0x10]  }
0x11: {  	v2 =	vld [tilespmem:$0x20]  }
0x12: {  	v7 =	vld [tilespmem:$0x70]  }
0x13: {  	v3 =	vld [tilespmem:$0x30]  }
0x14: {  	v4 =	vld [tilespmem:$0x40]  }
0x15: {  	v5 =	vld [tilespmem:$0x50]  }
0x16: {  	s17 =	simm.s32 $0x0;
	s18 =	simm.s32 $0x800;
	v6 =	vld [tilespmem:$0x60]  }
.LBB2_2:
0x17: {  	p0 =	sne.s32 s18, $0xF000;
	[tilespmem:s17+$0x270] =	vst v7  }
0x18: {  	[tilespmem:s17+$0x80] =	vst v0  }
0x19: {  	[tilespmem:s17+$0x90] =	vst v1  }
0x1a: {  	[tilespmem:s17+$0xA0] =	vst v2  }
0x1b: {  	[tilespmem:s17+$0xB0] =	vst v3  }
0x1c: {  	[tilespmem:s17+$0xC0] =	vst v4  }
0x1d: {  	[tilespmem:s17+$0xD0] =	vst v5  }
0x1e: {  	[tilespmem:s17+$0xE0] =	vst v6  }
0x1f: {  	[tilespmem:s17+$0xF0] =	vst v7  }
0x20: {  	[tilespmem:s17+$0x100] =	vst v0  }
0x21: {  	[tilespmem:s17+$0x110] =	vst v1  }
0x22: {  	[tilespmem:s17+$0x120] =	vst v2  }
0x23: {  	[tilespmem:s17+$0x130] =	vst v3  }
0x24: {  	[tilespmem:s17+$0x140] =	vst v4  }
0x25: {  	[tilespmem:s17+$0x150] =	vst v5  }
0x26: {  	[tilespmem:s17+$0x160] =	vst v6  }
0x27: {  	[tilespmem:s17+$0x170] =	vst v7  }
0x28: {  	[tilespmem:s17+$0x180] =	vst v0  }
0x29: {  	[tilespmem:s17+$0x190] =	vst v1  }
0x2a: {  	[tilespmem:s17+$0x1A0] =	vst v2  }
0x2b: {  	[tilespmem:s17+$0x1B0] =	vst v3  }
0x2c: {  	[tilespmem:s17+$0x1C0] =	vst v4  }
0x2d: {  	[tilespmem:s17+$0x1D0] =	vst v5  }
0x2e: {  	[tilespmem:s17+$0x1E0] =	vst v6  }
0x2f: {  	[tilespmem:s17+$0x1F0] =	vst v7  }
0x30: {  	[tilespmem:s17+$0x200] =	vst v0  }
0x31: {  	[tilespmem:s17+$0x210] =	vst v1  }
.Ltmp0:
0x32: {  	[tilespmem:s17+$0x220] =	vst v2;
	(pc) =	sbr.rel @p0 .LBB2_2-.Ltmp0, $4  }
0x33: {  	[tilespmem:s17+$0x230] =	vst v3  }
0x34: {  	[tilespmem:s17+$0x240] =	vst v4  }
0x35: {  	[tilespmem:s17+$0x250] =	vst v5  }
0x36: {  	[tilespmem:s17+$0x260] =	vst v6;
	s17 =	sshra.s32 s18, $0x2;
	s18 =	sadd.s32 $0x800, s18  }
0x37: {  	[tilespmem:s17+$0x270] =	vst v7  }
0x38: {  	[tilespmem:s17+$0x80] =	vst v0  }
0x39: {  	[tilespmem:s17+$0x90] =	vst v1  }
0x3a: {  	[tilespmem:s17+$0xA0] =	vst v2  }
0x3b: {  	[tilespmem:s17+$0xB0] =	vst v3  }
0x3c: {  	[tilespmem:s17+$0xC0] =	vst v4  }
0x3d: {  	[tilespmem:s17+$0xD0] =	vst v5  }
0x3e: {  	[tilespmem:s17+$0xE0] =	vst v6  }
0x3f: {  	[tilespmem:s17+$0xF0] =	vst v7  }
0x40: {  	[tilespmem:s17+$0x100] =	vst v0  }
0x41: {  	[tilespmem:s17+$0x110] =	vst v1  }
0x42: {  	[tilespmem:s17+$0x120] =	vst v2  }
0x43: {  	[tilespmem:s17+$0x130] =	vst v3  }
0x44: {  	[tilespmem:s17+$0x140] =	vst v4  }
0x45: {  	[tilespmem:s17+$0x150] =	vst v5  }
0x46: {  	[tilespmem:s17+$0x160] =	vst v6  }
0x47: {  	[tilespmem:s17+$0x170] =	vst v7  }
0x48: {  	[tilespmem:s17+$0x180] =	vst v0  }
0x49: {  	[tilespmem:s17+$0x190] =	vst v1  }
0x4a: {  	[tilespmem:s17+$0x1A0] =	vst v2  }
0x4b: {  	[tilespmem:s17+$0x1B0] =	vst v3  }
0x4c: {  	[tilespmem:s17+$0x1C0] =	vst v4  }
0x4d: {  	[tilespmem:s17+$0x1D0] =	vst v5  }
0x4e: {  	[tilespmem:s17+$0x1E0] =	vst v6  }
0x4f: {  	[tilespmem:s17+$0x1F0] =	vst v7  }
0x50: {  	[tilespmem:s17+$0x200] =	vst v0  }
0x51: {  	[tilespmem:s17+$0x210] =	vst v1  }
0x52: {  	[tilespmem:s17+$0x220] =	vst v2  }
0x53: {  	[tilespmem:s17+$0x230] =	vst v3  }
0x54: {  	[tilespmem:s17+$0x240] =	vst v4  }
0x55: {  	[tilespmem:s17+$0x250] =	vst v5  }
0x56: {  	[tilespmem:s17+$0x260] =	vst v6;
	s31 =	simm.s32 $0x0  }
0x57: {  	[hbm4b:s4+s31] =	stream.linear.scatter [tilespmem:s31], [sflag:$0x1], $0x3E80, $0x38;
	[tilespmem:$0x13880] =	vst v63  }
0x58: {  	_ = 	snop  }
0x59: {  	[hbm4b:s5+s31] =	stream.linear.scatter [tilespmem:s31], [sflag:$0x1], $0x3E80, $0x38;
	[tilespmem:$0x13880] =	vst v63  }
0x5a: {  	_ = 	snop  }
0x5b: {  	[hbm4b:s6+s31] =	stream.linear.scatter [tilespmem:s31], [sflag:$0x1], $0x3E80, $0x38;
	[tilespmem:$0x13880] =	vst v63  }
0x5c: {  	_ = 	snop  }
0x5d: {  	[hbm4b:s7+s31] =	stream.linear.scatter [tilespmem:s31], [sflag:$0x1], $0x3E80, $0x38;
	[tilespmem:$0x13880] =	vst v63  }
0x5e: {  	s17 =	simm.s32 $0x0;
	s18 =	simm.s32 $0x800  }
0x5f: {  	[hbm4b:s8+s31] =	stream.linear.scatter [tilespmem:s31], [sflag:$0x1], $0x3E80, $0x38;
	[tilespmem:$0x13880] =	vst v63  }
.LBB2_4:
0x60: {  	p0 =	sne.s32 s18, $0x3E000;
	[tilespmem:s17+$0x4070] =	vst v7  }
0x61: {  	[tilespmem:s17+$0x3E80] =	vst v0  }
0x62: {  	[tilespmem:s17+$0x3E90] =	vst v1  }
0x63: {  	[tilespmem:s17+$0x3EA0] =	vst v2  }
0x64: {  	[tilespmem:s17+$0x3EB0] =	vst v3  }
0x65: {  	[tilespmem:s17+$0x3EC0] =	vst v4  }
0x66: {  	[tilespmem:s17+$0x3ED0] =	vst v5  }
0x67: {  	[tilespmem:s17+$0x3EE0] =	vst v6  }
0x68: {  	[tilespmem:s17+$0x3EF0] =	vst v7  }
0x69: {  	[tilespmem:s17+$0x3F00] =	vst v0  }
0x6a: {  	[tilespmem:s17+$0x3F10] =	vst v1  }
0x6b: {  	[tilespmem:s17+$0x3F20] =	vst v2  }
0x6c: {  	[tilespmem:s17+$0x3F30] =	vst v3  }
0x6d: {  	[tilespmem:s17+$0x3F40] =	vst v4  }
0x6e: {  	[tilespmem:s17+$0x3F50] =	vst v5  }
0x6f: {  	[tilespmem:s17+$0x3F60] =	vst v6  }
0x70: {  	[tilespmem:s17+$0x3F70] =	vst v7  }
0x71: {  	[tilespmem:s17+$0x3F80] =	vst v0  }
0x72: {  	[tilespmem:s17+$0x3F90] =	vst v1  }
0x73: {  	[tilespmem:s17+$0x3FA0] =	vst v2  }
0x74: {  	[tilespmem:s17+$0x3FB0] =	vst v3  }
0x75: {  	[tilespmem:s17+$0x3FC0] =	vst v4  }
0x76: {  	[tilespmem:s17+$0x3FD0] =	vst v5  }
0x77: {  	[tilespmem:s17+$0x3FE0] =	vst v6  }
0x78: {  	[tilespmem:s17+$0x3FF0] =	vst v7  }
0x79: {  	[tilespmem:s17+$0x4000] =	vst v0  }
0x7a: {  	[tilespmem:s17+$0x4010] =	vst v1  }
.Ltmp1:
0x7b: {  	[tilespmem:s17+$0x4020] =	vst v2;
	(pc) =	sbr.rel @p0 .LBB2_4-.Ltmp1, $4  }
0x7c: {  	[tilespmem:s17+$0x4030] =	vst v3  }
0x7d: {  	[tilespmem:s17+$0x4040] =	vst v4  }
0x7e: {  	[tilespmem:s17+$0x4050] =	vst v5  }
0x7f: {  	[tilespmem:s17+$0x4060] =	vst v6;
	s17 =	sshra.s32 s18, $0x2;
	s18 =	sadd.s32 $0x800, s18  }
0x80: {  	[tilespmem:s17+$0x4070] =	vst v7  }
0x81: {  	[tilespmem:s17+$0x3E80] =	vst v0  }
0x82: {  	[tilespmem:s17+$0x3E90] =	vst v1  }
0x83: {  	[tilespmem:s17+$0x3EA0] =	vst v2  }
0x84: {  	[tilespmem:s17+$0x3EB0] =	vst v3  }
0x85: {  	[tilespmem:s17+$0x3EC0] =	vst v4  }
0x86: {  	[tilespmem:s17+$0x3ED0] =	vst v5  }
0x87: {  	[tilespmem:s17+$0x3EE0] =	vst v6  }
0x88: {  	[tilespmem:s17+$0x3EF0] =	vst v7  }
0x89: {  	[tilespmem:s17+$0x3F00] =	vst v0  }
0x8a: {  	[tilespmem:s17+$0x3F10] =	vst v1  }
0x8b: {  	[tilespmem:s17+$0x3F20] =	vst v2  }
0x8c: {  	[tilespmem:s17+$0x3F30] =	vst v3  }
0x8d: {  	[tilespmem:s17+$0x3F40] =	vst v4  }
0x8e: {  	[tilespmem:s17+$0x3F50] =	vst v5  }
0x8f: {  	[tilespmem:s17+$0x3F60] =	vst v6  }
0x90: {  	[tilespmem:s17+$0x3F70] =	vst v7  }
0x91: {  	[tilespmem:s17+$0x3F80] =	vst v0  }
0x92: {  	[tilespmem:s17+$0x3F90] =	vst v1  }
0x93: {  	[tilespmem:s17+$0x3FA0] =	vst v2  }
0x94: {  	[tilespmem:s17+$0x3FB0] =	vst v3  }
0x95: {  	[tilespmem:s17+$0x3FC0] =	vst v4  }
0x96: {  	[tilespmem:s17+$0x3FD0] =	vst v5  }
0x97: {  	[tilespmem:s17+$0x3FE0] =	vst v6  }
0x98: {  	[tilespmem:s17+$0x3FF0] =	vst v7  }
0x99: {  	[tilespmem:s17+$0x4000] =	vst v0  }
0x9a: {  	[tilespmem:s17+$0x4010] =	vst v1  }
0x9b: {  	[tilespmem:s17+$0x4020] =	vst v2  }
0x9c: {  	[tilespmem:s17+$0x4030] =	vst v3  }
0x9d: {  	[tilespmem:s17+$0x4040] =	vst v4  }
0x9e: {  	[tilespmem:s17+$0x4050] =	vst v5  }
0x9f: {  	[tilespmem:s17+$0x4060] =	vst v6  }
0xa0: {  	[hbm4b:s9+s3] =	stream.linear.scatter [tilespmem:s3], [sflag:$0x1], $0x13880, $0x38;
	[tilespmem:$0x13880] =	vst v63  }
0xa1: {  	_ = 	snop  }
0xa2: {  	[hbm4b:s10+s3] =	stream.linear.scatter [tilespmem:s3], [sflag:$0x1], $0x13880, $0x38;
	[tilespmem:$0x13880] =	vst v63  }
0xa3: {  	_ = 	snop  }
0xa4: {  	[hbm4b:s11+s3] =	stream.linear.scatter [tilespmem:s3], [sflag:$0x1], $0x13880, $0x38;
	[tilespmem:$0x13880] =	vst v63  }
0xa5: {  	_ = 	snop  }
0xa6: {  	[hbm4b:s12+s3] =	stream.linear.scatter [tilespmem:s3], [sflag:$0x1], $0x13880, $0x38;
	[tilespmem:$0x13880] =	vst v63  }
0xa7: {  	_ =	swait.ge [sflag:s15], $0x3E80  }
0xa8: {  	[sflag:s15] =	ssyncset.done $0x0  }
0xa9: {  	[sflag:s15] =	ssyncadd.s32 $0xFFFFC180  }
0xaa: {  	_ =	swait.ge [sflag:s15], $0x3E80  }
0xab: {  	[sflag:s15] =	ssyncset.done $0x0  }
0xac: {  	[sflag:s15] =	ssyncadd.s32 $0xFFFFC180  }
0xad: {  	_ =	swait.ge [sflag:s15], $0x3E80  }
0xae: {  	[sflag:s15] =	ssyncset.done $0x0  }
0xaf: {  	[sflag:s15] =	ssyncadd.s32 $0xFFFFC180  }
0xb0: {  	_ =	swait.ge [sflag:s15], $0x3E80  }
0xb1: {  	[sflag:s15] =	ssyncset.done $0x0  }
0xb2: {  	[sflag:s15] =	ssyncadd.s32 $0xFFFFC180  }
0xb3: {  	_ =	swait.ge [sflag:s15], $0x3E80  }
0xb4: {  	[sflag:s15] =	ssyncset.done $0x0  }
0xb5: {  	[sflag:s15] =	ssyncadd.s32 $0xFFFFC180  }
0xb6: {  	_ =	swait.ge [sflag:s15], $0x13880  }
0xb7: {  	[sflag:s15] =	ssyncset.done $0x0  }
0xb8: {  	[sflag:s15] =	ssyncadd.s32 $0xFFFEC780  }
0xb9: {  	_ =	swait.ge [sflag:s15], $0x13880  }
0xba: {  	[sflag:s15] =	ssyncset.done $0x0  }
0xbb: {  	s16 =	sadd.s32 $0x1, s16;
	[sflag:s15] =	ssyncadd.s32 $0xFFFEC780  }
0xbc: {  	p0 =	sne.s32 s16, s13;
	_ =	swait.ge [sflag:s15], $0x13880  }
.Ltmp2:
0xbd: {  	[sflag:s15] =	ssyncset.done $0x0;
	(pc) =	sbr.rel @p0 .LBB2_1-.Ltmp2, $4  }
0xbe: {  	[sflag:s15] =	ssyncadd.s32 $0xFFFEC780  }
0xbf: {  	_ =	swait.ge [sflag:s15], $0x13880  }
0xc0: {  	[sflag:s15] =	ssyncset.done $0x0  }
0xc1: {  	[sflag:s15] =	ssyncadd.s32 $0xFFFEC780  }
0xc2: {  	_ =	sfence.sel $0x180000  }
0xc3: {  	[bflag:$0x0] =	sbarrier.arrive $0xFFFF  }
0xc4: {  	p0 =	sne.s32 s0, $0x0;
	_ =	strace $0x90000047  }
0xc5: {  	s0 =	sadd.s32 @!p0 $0x100000, s1;
	[bflag:$0x2] =	sbarrier.arrive $0xFFFF  }
0xc6: {  	[sflag:s0] =	ssyncadd.tile.s32 @!p0 $0x1;
	_ =	shalt  }
.Lfunc_end2:
_tile_overlayer_lowered:
.L_overlay_start_2:
0xc7: {  	(tag) =	ssettag $0x2  }
0xc8: {  	s0 =	rddreg [dreg:$0x0];
	s2 =	stileid.u32  }
0xc9: {  	s1 =	rddreg [dreg:$0x1];
	p0 =	sne.s32 s2, $0x0  }
0xca: {  	s3 =	rddreg [dreg:$0x2];
	[bflag:$0x3] =	sbarrier.arrive $0xFFFF;
	s2 =	simm.s32 @!p0 $0x1C02  }
0xcb: {  	[timem:s3], [sflag:s2] =	dma.local @!p0 [hbm:s0], s1  }
0xcc: {  	s0 =	simm.s32 @!p0 $0x2  }
0xcd: {  	_ =	swait.ge @!p0 [sflag:s0], s1  }
0xce: {  	s1 =	ssub.s32 @!p0 $0x0, s1;
	[sflag:s0] =	ssyncset.done @!p0 $0x0  }
0xcf: {  	[sflag:s0] =	ssyncadd.s32 @!p0 s1  }
0xd0: {  	[bflag:$0x3] =	sbarrier.arrive $0xFFFF  }
0xd1: {  	_ =	shalt  }

</sc_bundles>
